<compile_context>
chip_gen: v7x
topology: tpu7x:2x2x1
jax: 0.10.2.dev20260603
libtpu: 0.0.44.dev20260713+nightly
codegen_flags: <defaults>
</compile_context>

<pallas_src>
import functools

import jax
import jax.numpy as jnp
from jax import lax
from jax.experimental import pallas as pl
from jax.experimental.pallas import tpu as pltpu
from jax.experimental.pallas import tpu_sc as plsc

_N_NODE = 1000000
_IDX_CHUNK = 128


@functools.cache
def _make_sc_gather(NT2, RT2, B):
    info = plsc.get_sparse_core_info()
    NC, NS = info.num_cores, info.num_subcores
    NW = NC * NS
    b_per_w = B // NW
    n_chunks = b_per_w // _IDX_CHUNK
    mesh = plsc.VectorSubcoreMesh(core_axis_name="c", subcore_axis_name="s")

    @functools.partial(
        pl.kernel,
        out_type=(
            jax.ShapeDtypeStruct((B, 128), jnp.float32),
            jax.ShapeDtypeStruct((B, 128), jnp.float32),
        ),
        mesh=mesh,
        scratch_types=[
            pltpu.VMEM((b_per_w,), jnp.int32),
            pltpu.VMEM((b_per_w,), jnp.int32),
            pltpu.VMEM((b_per_w, 128), jnp.float32),
            pltpu.SemaphoreType.DMA,
        ],
    )
    def sc_gather(node_hbm, rel_hbm, eidx_hbm, base_hbm, ht_out, rel_out,
                  eidx_v, base_v, rows_v, sem):
        wid = lax.axis_index("s") * NC + lax.axis_index("c")
        off = wid * b_per_w
        pltpu.sync_copy(eidx_hbm.at[pl.ds(off, b_per_w)], eidx_v)
        pltpu.sync_copy(base_hbm.at[pl.ds(off, b_per_w)], base_v)
        for j in range(b_per_w // 16):
            sl = pl.ds(j * 16, 16)
            eidx_v[sl] = lax.shift_right_arithmetic(eidx_v[sl] - _N_NODE, 1)
            base_v[sl] = lax.shift_right_arithmetic(base_v[sl], 1)
        copies = []
        for i in range(n_chunks):
            sl = pl.ds(i * _IDX_CHUNK, _IDX_CHUNK)
            copies.append(
                pltpu.async_copy(node_hbm.at[eidx_v.at[sl]], rows_v.at[sl], sem))
        for cp in copies:
            cp.wait()
        pltpu.sync_copy(rows_v, ht_out.at[pl.ds(off, b_per_w)])
        copies = []
        for i in range(n_chunks):
            sl = pl.ds(i * _IDX_CHUNK, _IDX_CHUNK)
            copies.append(
                pltpu.async_copy(rel_hbm.at[base_v.at[sl]], rows_v.at[sl], sem))
        for cp in copies:
            cp.wait()
        pltpu.sync_copy(rows_v, rel_out.at[pl.ds(off, b_per_w)])

    return sc_gather


_TC_BLK = 2048


def _tc_score_body(ht_ref, rel_ref, eidx_ref, base_ref, gt_ref, out_ref, *,
                   inv_b):
    @pl.when(pl.program_id(0) == 0)
    def _():
        out_ref[...] = jnp.zeros_like(out_ref)

    a128 = ht_ref[...]
    b128 = rel_ref[...]
    pa = (eidx_ref[...] - _N_NODE) & 1
    pb = base_ref[...] & 1
    a = jnp.where(pa == 1, a128[:, 64:], a128[:, :64])
    b = jnp.where(pb == 1, b128[:, 64:], b128[:, :64])
    aa = jnp.sum(a * a, axis=1, keepdims=True)
    bb = jnp.sum(b * b, axis=1, keepdims=True)
    ab = jnp.sum(a * b, axis=1, keepdims=True)
    eps = jnp.float32(1e-12)
    denom = jnp.maximum(jnp.sqrt(aa), eps) * jnp.maximum(jnp.sqrt(bb), eps)
    x = -(ab / denom) * gt_ref[...]
    sp = jnp.maximum(x, 0.0) + jnp.log1p(jnp.exp(-jnp.abs(x)))
    out_ref[...] += (jnp.sum(sp) * jnp.float32(inv_b)).reshape(1, 1)


def kernel(node_table, rel_table, base_edge_index, base, ground_truth):
    B = base.shape[0]
    NT, D = node_table.shape
    NR = rel_table.shape[0]
    nt2 = node_table.reshape(NT // 2, 2 * D)
    rt2 = rel_table.reshape(NR // 2, 2 * D)
    eidx = base_edge_index.reshape(B)
    ht128, rel128 = _make_sc_gather(NT // 2, NR // 2, B)(nt2, rt2, eidx, base)
    n_blk = B // _TC_BLK
    loss = pl.pallas_call(
        functools.partial(_tc_score_body, inv_b=1.0 / B),
        grid=(n_blk,),
        in_specs=[
            pl.BlockSpec((_TC_BLK, 128), lambda i: (i, 0)),
            pl.BlockSpec((_TC_BLK, 128), lambda i: (i, 0)),
            pl.BlockSpec((_TC_BLK, 1), lambda i: (i, 0)),
            pl.BlockSpec((_TC_BLK, 1), lambda i: (i, 0)),
            pl.BlockSpec((_TC_BLK, 1), lambda i: (i, 0)),
        ],
        out_specs=pl.BlockSpec((1, 1), lambda i: (0, 0)),
        out_shape=jax.ShapeDtypeStruct((1, 1), jnp.float32),
    )(ht128, rel128, base_edge_index, base.reshape(B, 1), ground_truth)
    return loss[0, 0]

# --- scband reference (transcript-rebuilt; emitter-appended) ---
"""Pipeline reference for scband-hyper-graph-v2-72224170049550 (READ-ONLY COPY).

The authoritative reference and input builder live on the scoring server;
editing this copy changes nothing except your own understanding.
"""

import jax, jax.numpy as jnp
import numpy as np

N_NODE = 1000000
N_HYPER_EDGE = 1000000
EMB = 64
N_REL = 1000
BATCH = 16384


def setup_inputs(seed: int = 0):
    key = jax.random.key(seed)
    k1, k2, k3, k4 = jax.random.split(key, 4)
    stdv = 1.0 / np.sqrt(EMB)
    # learned parameters: hyper-node embedding table and relation embedding table
    node_table = jax.random.uniform(k1, (N_HYPER_EDGE, EMB), minval=-stdv, maxval=stdv, dtype=jnp.float32)
    rel_table = jax.random.uniform(k2, (N_REL, EMB), minval=-stdv, maxval=stdv, dtype=jnp.float32)
    # forward args: indices into hyper-node table live in [n_node, n_node + n_hyper_edge)
    base_edge_index = jax.random.randint(k3, (BATCH, 1), N_NODE, N_NODE + N_HYPER_EDGE, dtype=jnp.int32)
    base = jax.random.randint(k4, (BATCH,), 0, N_REL, dtype=jnp.int32)
    ground_truth = jnp.ones((BATCH, 1), dtype=jnp.float32)
    return {
        "node_table": node_table,
        "rel_table": rel_table,
        "base_edge_index": base_edge_index,
        "base": base,
        "ground_truth": ground_truth,
    }


def _normalize(x, eps=1e-12):
    n = jnp.linalg.norm(x, axis=-1, keepdims=True)
    return x / jnp.maximum(n, eps)


def reference(node_table, rel_table, base_edge_index, base, ground_truth):
    # faithful translation of HyperGraphV2.train_base_pre_relation
    idx = jnp.squeeze(base_edge_index, axis=-1) - N_NODE          # offset into hyper-node table
    ht_embedding = jnp.take(node_table, idx, axis=0)              # [B, EMB] gather (index_select)
    rel_emb = jnp.take(rel_table, base, axis=0)                   # [B, EMB] embedding lookup
    B = base.shape[0]
    rel_emb = rel_emb.reshape(B, -1, EMB)                         # [B, R, EMB]
    rel_emb = _normalize(rel_emb)                                 # F.normalize p=2 dim=-1
    ht_embedding = _normalize(ht_embedding)
    ht_embedding = ht_embedding[:, :, None]                       # unsqueeze(2) -> [B, EMB, 1]
    score = jnp.matmul(rel_emb, ht_embedding)                     # [B, R, 1]
    score = jnp.squeeze(score, axis=2)                            # [B, R]
    loss = jnp.mean(jax.nn.softplus(-score * ground_truth))
    return loss

if __name__ == "__main__":
    import jax
    _d = setup_inputs()
    print(jax.jit(kernel)(*tuple(_d.values())))

</pallas_src>

<mosaic_0001>
#map = affine_map<(d0, d1) -> (0, 0)>
#map1 = affine_map<(d0, d1) -> (0)>
module attributes {stable_mosaic.version = 14 : i64} {
  func.func @sc_gather(%arg0: i32, %arg1: i32, %arg2: memref<500000x128xf32, #tpu.memory_space<hbm>>, %arg3: memref<500x128xf32, #tpu.memory_space<hbm>>, %arg4: memref<16384xi32, #tpu.memory_space<hbm>>, %arg5: memref<16384xi32, #tpu.memory_space<hbm>>, %arg6: memref<16384x128xf32, #tpu.memory_space<hbm>>, %arg7: memref<16384x128xf32, #tpu.memory_space<hbm>>, %arg8: memref<512xi32, #tpu.memory_space<vmem>>, %arg9: memref<512xi32, #tpu.memory_space<vmem>>, %arg10: memref<512x128xf32, #tpu.memory_space<vmem>>, %arg11: memref<!tpu.dma_semaphore, #tpu.memory_space<semaphore_mem>>) attributes {dimension_semantics = [#tpu.dimension_semantics<core_parallel>, #tpu.dimension_semantics<subcore_parallel>], iteration_bounds = array<i64: 2, 16>, scalar_prefetch = 0 : i64, scratch_operands = 4 : i64, tpu.core_type = #tpu.core_type<sc_vector_subcore>, window_params = [{transform_indices = #map}, {transform_indices = #map}, {transform_indices = #map1}, {transform_indices = #map1}, {transform_indices = #map}, {transform_indices = #map}]} {
    %mul3A = arith.constant 2 : i32
    %mul3A_0 = arith.muli %arg1, %mul3A : i32
    %add3A = arith.addi %mul3A_0, %arg0 : i32
    %mul3A_1 = arith.constant 512 : i32
    %mul3A_2 = arith.muli %add3A, %mul3A_1 : i32
    "tpu.region"() ({
      %run_scoped3A = tpu.sem_alloc : memref<!tpu.dma_semaphore, #tpu.memory_space<semaphore_mem>>
      %dma_start3A_861 = tpu.memref_slice %arg4[%mul3A_2] : memref<16384xi32, #tpu.memory_space<hbm>> -> memref<512xi32, #tpu.memory_space<hbm>>
      %dma_start3A_862 = tpu.memref_slice %arg4[%mul3A_2] : memref<16384xi32, #tpu.memory_space<hbm>> -> memref<512xi32, #tpu.memory_space<hbm>>
      tpu.enqueue_dma source(%dma_start3A_862 : memref<512xi32, #tpu.memory_space<hbm>>) target(%arg8 : memref<512xi32, #tpu.memory_space<vmem>>) target_semaphore(%run_scoped3A : memref<!tpu.dma_semaphore, #tpu.memory_space<semaphore_mem>>)
      %dma_wait3A_863 = tpu.memref_slice %arg4[%mul3A_2] : memref<16384xi32, #tpu.memory_space<hbm>> -> memref<512xi32, #tpu.memory_space<hbm>>
      %dma_wait3A_864 = tpu.memref_slice %arg4[%mul3A_2] : memref<16384xi32, #tpu.memory_space<hbm>> -> memref<512xi32, #tpu.memory_space<hbm>>
      tpu.wait_dma2 semaphore(%run_scoped3A : memref<!tpu.dma_semaphore, #tpu.memory_space<semaphore_mem>>) src(%dma_wait3A_864 : memref<512xi32, #tpu.memory_space<hbm>>) dst(%arg8 : memref<512xi32, #tpu.memory_space<vmem>>)
      tpu.yield
    }) : () -> ()
    "tpu.region"() ({
      %run_scoped3A = tpu.sem_alloc : memref<!tpu.dma_semaphore, #tpu.memory_space<semaphore_mem>>
      %dma_start3A_861 = tpu.memref_slice %arg5[%mul3A_2] : memref<16384xi32, #tpu.memory_space<hbm>> -> memref<512xi32, #tpu.memory_space<hbm>>
      %dma_start3A_862 = tpu.memref_slice %arg5[%mul3A_2] : memref<16384xi32, #tpu.memory_space<hbm>> -> memref<512xi32, #tpu.memory_space<hbm>>
      tpu.enqueue_dma source(%dma_start3A_862 : memref<512xi32, #tpu.memory_space<hbm>>) target(%arg9 : memref<512xi32, #tpu.memory_space<vmem>>) target_semaphore(%run_scoped3A : memref<!tpu.dma_semaphore, #tpu.memory_space<semaphore_mem>>)
      %dma_wait3A_863 = tpu.memref_slice %arg5[%mul3A_2] : memref<16384xi32, #tpu.memory_space<hbm>> -> memref<512xi32, #tpu.memory_space<hbm>>
      %dma_wait3A_864 = tpu.memref_slice %arg5[%mul3A_2] : memref<16384xi32, #tpu.memory_space<hbm>> -> memref<512xi32, #tpu.memory_space<hbm>>
      tpu.wait_dma2 semaphore(%run_scoped3A : memref<!tpu.dma_semaphore, #tpu.memory_space<semaphore_mem>>) src(%dma_wait3A_864 : memref<512xi32, #tpu.memory_space<hbm>>) dst(%arg9 : memref<512xi32, #tpu.memory_space<vmem>>)
      tpu.yield
    }) : () -> ()
    %get3A = arith.constant 0 : index
    %get3A_3 = tpu.vector_load %arg8[%get3A] {strides = array<i32>} : memref<512xi32, #tpu.memory_space<vmem>>, vector<16xi32>,
    %get3A_4 = vector.shape_cast %get3A_3 : vector<16xi32> to vector<16xi32>
    %sub3A = arith.constant 1000000 : i32
    %sub3A_5 = vector.broadcast %sub3A : i32 to vector<16xi32>
    %sub3A_6 = arith.subi %get3A_4, %sub3A_5 : vector<16xi32>
    %shift_right_arithmetic3A = arith.constant 1 : i32
    %shift_right_arithmetic3A_7 = vector.broadcast %shift_right_arithmetic3A : i32 to vector<16xi32>
    %shift_right_arithmetic3A_8 = arith.shrsi %sub3A_6, %shift_right_arithmetic3A_7 : vector<16xi32>
    %swap3A = arith.constant 0 : index
    %swap3A_9 = tpu.vector_load %arg8[%swap3A] {strides = array<i32>} : memref<512xi32, #tpu.memory_space<vmem>>, vector<16xi32>,
    %swap3A_10 = vector.shape_cast %swap3A_9 : vector<16xi32> to vector<16xi32>
    %swap3A_11 = vector.shape_cast %shift_right_arithmetic3A_8 : vector<16xi32> to vector<16xi32>
    tpu.vector_store %arg8[%swap3A], %swap3A_11 {strides = array<i32>} : memref<512xi32, #tpu.memory_space<vmem>>, vector<16xi32>,
    %get3A_12 = arith.constant 0 : index
    %get3A_13 = tpu.vector_load %arg9[%get3A_12] {strides = array<i32>} : memref<512xi32, #tpu.memory_space<vmem>>, vector<16xi32>,
    %get3A_14 = vector.shape_cast %get3A_13 : vector<16xi32> to vector<16xi32>
    %shift_right_arithmetic3A_15 = arith.constant 1 : i32
    %shift_right_arithmetic3A_16 = vector.broadcast %shift_right_arithmetic3A_15 : i32 to vector<16xi32>
    %shift_right_arithmetic3A_17 = arith.shrsi %get3A_14, %shift_right_arithmetic3A_16 : vector<16xi32>
    %swap3A_18 = arith.constant 0 : index
    %swap3A_19 = tpu.vector_load %arg9[%swap3A_18] {strides = array<i32>} : memref<512xi32, #tpu.memory_space<vmem>>, vector<16xi32>,
    %swap3A_20 = vector.shape_cast %swap3A_19 : vector<16xi32> to vector<16xi32>
    %swap3A_21 = vector.shape_cast %shift_right_arithmetic3A_17 : vector<16xi32> to vector<16xi32>
    tpu.vector_store %arg9[%swap3A_18], %swap3A_21 {strides = array<i32>} : memref<512xi32, #tpu.memory_space<vmem>>, vector<16xi32>,
    %get3A_22 = arith.constant 16 : index
    %get3A_23 = tpu.vector_load %arg8[%get3A_22] {strides = array<i32>} : memref<512xi32, #tpu.memory_space<vmem>>, vector<16xi32>,
    %get3A_24 = vector.shape_cast %get3A_23 : vector<16xi32> to vector<16xi32>
    %sub3A_25 = arith.constant 1000000 : i32
    %sub3A_26 = vector.broadcast %sub3A_25 : i32 to vector<16xi32>
    %sub3A_27 = arith.subi %get3A_24, %sub3A_26 : vector<16xi32>
    %shift_right_arithmetic3A_28 = arith.constant 1 : i32
    %shift_right_arithmetic3A_29 = vector.broadcast %shift_right_arithmetic3A_28 : i32 to vector<16xi32>
    %shift_right_arithmetic3A_30 = arith.shrsi %sub3A_27, %shift_right_arithmetic3A_29 : vector<16xi32>
    %swap3A_31 = arith.constant 16 : index
    %swap3A_32 = tpu.vector_load %arg8[%swap3A_31] {strides = array<i32>} : memref<512xi32, #tpu.memory_space<vmem>>, vector<16xi32>,
    %swap3A_33 = vector.shape_cast %swap3A_32 : vector<16xi32> to vector<16xi32>
    %swap3A_34 = vector.shape_cast %shift_right_arithmetic3A_30 : vector<16xi32> to vector<16xi32>
    tpu.vector_store %arg8[%swap3A_31], %swap3A_34 {strides = array<i32>} : memref<512xi32, #tpu.memory_space<vmem>>, vector<16xi32>,
    %get3A_35 = arith.constant 16 : index
    %get3A_36 = tpu.vector_load %arg9[%get3A_35] {strides = array<i32>} : memref<512xi32, #tpu.memory_space<vmem>>, vector<16xi32>,
    %get3A_37 = vector.shape_cast %get3A_36 : vector<16xi32> to vector<16xi32>
    %shift_right_arithmetic3A_38 = arith.constant 1 : i32
    %shift_right_arithmetic3A_39 = vector.broadcast %shift_right_arithmetic3A_38 : i32 to vector<16xi32>
    %shift_right_arithmetic3A_40 = arith.shrsi %get3A_37, %shift_right_arithmetic3A_39 : vector<16xi32>
    %swap3A_41 = arith.constant 16 : index
    %swap3A_42 = tpu.vector_load %arg9[%swap3A_41] {strides = array<i32>} : memref<512xi32, #tpu.memory_space<vmem>>, vector<16xi32>,
    %swap3A_43 = vector.shape_cast %swap3A_42 : vector<16xi32> to vector<16xi32>
    %swap3A_44 = vector.shape_cast %shift_right_arithmetic3A_40 : vector<16xi32> to vector<16xi32>
    tpu.vector_store %arg9[%swap3A_41], %swap3A_44 {strides = array<i32>} : memref<512xi32, #tpu.memory_space<vmem>>, vector<16xi32>,
    %get3A_45 = arith.constant 32 : index
    %get3A_46 = tpu.vector_load %arg8[%get3A_45] {strides = array<i32>} : memref<512xi32, #tpu.memory_space<vmem>>, vector<16xi32>,
    %get3A_47 = vector.shape_cast %get3A_46 : vector<16xi32> to vector<16xi32>
    %sub3A_48 = arith.constant 1000000 : i32
    %sub3A_49 = vector.broadcast %sub3A_48 : i32 to vector<16xi32>
    %sub3A_50 = arith.subi %get3A_47, %sub3A_49 : vector<16xi32>
    %shift_right_arithmetic3A_51 = arith.constant 1 : i32
    %shift_right_arithmetic3A_52 = vector.broadcast %shift_right_arithmetic3A_51 : i32 to vector<16xi32>
    %shift_right_arithmetic3A_53 = arith.shrsi %sub3A_50, %shift_right_arithmetic3A_52 : vector<16xi32>
    %swap3A_54 = arith.constant 32 : index
    %swap3A_55 = tpu.vector_load %arg8[%swap3A_54] {strides = array<i32>} : memref<512xi32, #tpu.memory_space<vmem>>, vector<16xi32>,
    %swap3A_56 = vector.shape_cast %swap3A_55 : vector<16xi32> to vector<16xi32>
    %swap3A_57 = vector.shape_cast %shift_right_arithmetic3A_53 : vector<16xi32> to vector<16xi32>
    tpu.vector_store %arg8[%swap3A_54], %swap3A_57 {strides = array<i32>} : memref<512xi32, #tpu.memory_space<vmem>>, vector<16xi32>,
    %get3A_58 = arith.constant 32 : index
    %get3A_59 = tpu.vector_load %arg9[%get3A_58] {strides = array<i32>} : memref<512xi32, #tpu.memory_space<vmem>>, vector<16xi32>,
    %get3A_60 = vector.shape_cast %get3A_59 : vector<16xi32> to vector<16xi32>
    %shift_right_arithmetic3A_61 = arith.constant 1 : i32
    %shift_right_arithmetic3A_62 = vector.broadcast %shift_right_arithmetic3A_61 : i32 to vector<16xi32>
    %shift_right_arithmetic3A_63 = arith.shrsi %get3A_60, %shift_right_arithmetic3A_62 : vector<16xi32>
    %swap3A_64 = arith.constant 32 : index
    %swap3A_65 = tpu.vector_load %arg9[%swap3A_64] {strides = array<i32>} : memref<512xi32, #tpu.memory_space<vmem>>, vector<16xi32>,
    %swap3A_66 = vector.shape_cast %swap3A_65 : vector<16xi32> to vector<16xi32>
    %swap3A_67 = vector.shape_cast %shift_right_arithmetic3A_63 : vector<16xi32> to vector<16xi32>
    tpu.vector_store %arg9[%swap3A_64], %swap3A_67 {strides = array<i32>} : memref<512xi32, #tpu.memory_space<vmem>>, vector<16xi32>,
    %get3A_68 = arith.constant 48 : index
    %get3A_69 = tpu.vector_load %arg8[%get3A_68] {strides = array<i32>} : memref<512xi32, #tpu.memory_space<vmem>>, vector<16xi32>,
    %get3A_70 = vector.shape_cast %get3A_69 : vector<16xi32> to vector<16xi32>
    %sub3A_71 = arith.constant 1000000 : i32
    %sub3A_72 = vector.broadcast %sub3A_71 : i32 to vector<16xi32>
    %sub3A_73 = arith.subi %get3A_70, %sub3A_72 : vector<16xi32>
    %shift_right_arithmetic3A_74 = arith.constant 1 : i32
    %shift_right_arithmetic3A_75 = vector.broadcast %shift_right_arithmetic3A_74 : i32 to vector<16xi32>
    %shift_right_arithmetic3A_76 = arith.shrsi %sub3A_73, %shift_right_arithmetic3A_75 : vector<16xi32>
    %swap3A_77 = arith.constant 48 : index
    %swap3A_78 = tpu.vector_load %arg8[%swap3A_77] {strides = array<i32>} : memref<512xi32, #tpu.memory_space<vmem>>, vector<16xi32>,
    %swap3A_79 = vector.shape_cast %swap3A_78 : vector<16xi32> to vector<16xi32>
    %swap3A_80 = vector.shape_cast %shift_right_arithmetic3A_76 : vector<16xi32> to vector<16xi32>
    tpu.vector_store %arg8[%swap3A_77], %swap3A_80 {strides = array<i32>} : memref<512xi32, #tpu.memory_space<vmem>>, vector<16xi32>,
    %get3A_81 = arith.constant 48 : index
    %get3A_82 = tpu.vector_load %arg9[%get3A_81] {strides = array<i32>} : memref<512xi32, #tpu.memory_space<vmem>>, vector<16xi32>,
    %get3A_83 = vector.shape_cast %get3A_82 : vector<16xi32> to vector<16xi32>
    %shift_right_arithmetic3A_84 = arith.constant 1 : i32
    %shift_right_arithmetic3A_85 = vector.broadcast %shift_right_arithmetic3A_84 : i32 to vector<16xi32>
    %shift_right_arithmetic3A_86 = arith.shrsi %get3A_83, %shift_right_arithmetic3A_85 : vector<16xi32>
    %swap3A_87 = arith.constant 48 : index
    %swap3A_88 = tpu.vector_load %arg9[%swap3A_87] {strides = array<i32>} : memref<512xi32, #tpu.memory_space<vmem>>, vector<16xi32>,
    %swap3A_89 = vector.shape_cast %swap3A_88 : vector<16xi32> to vector<16xi32>
    %swap3A_90 = vector.shape_cast %shift_right_arithmetic3A_86 : vector<16xi32> to vector<16xi32>
    tpu.vector_store %arg9[%swap3A_87], %swap3A_90 {strides = array<i32>} : memref<512xi32, #tpu.memory_space<vmem>>, vector<16xi32>,
    %get3A_91 = arith.constant 64 : index
    %get3A_92 = tpu.vector_load %arg8[%get3A_91] {strides = array<i32>} : memref<512xi32, #tpu.memory_space<vmem>>, vector<16xi32>,
    %get3A_93 = vector.shape_cast %get3A_92 : vector<16xi32> to vector<16xi32>
    %sub3A_94 = arith.constant 1000000 : i32
    %sub3A_95 = vector.broadcast %sub3A_94 : i32 to vector<16xi32>
    %sub3A_96 = arith.subi %get3A_93, %sub3A_95 : vector<16xi32>
    %shift_right_arithmetic3A_97 = arith.constant 1 : i32
    %shift_right_arithmetic3A_98 = vector.broadcast %shift_right_arithmetic3A_97 : i32 to vector<16xi32>
    %shift_right_arithmetic3A_99 = arith.shrsi %sub3A_96, %shift_right_arithmetic3A_98 : vector<16xi32>
    %swap3A_100 = arith.constant 64 : index
    %swap3A_101 = tpu.vector_load %arg8[%swap3A_100] {strides = array<i32>} : memref<512xi32, #tpu.memory_space<vmem>>, vector<16xi32>,
    %swap3A_102 = vector.shape_cast %swap3A_101 : vector<16xi32> to vector<16xi32>
    %swap3A_103 = vector.shape_cast %shift_right_arithmetic3A_99 : vector<16xi32> to vector<16xi32>
    tpu.vector_store %arg8[%swap3A_100], %swap3A_103 {strides = array<i32>} : memref<512xi32, #tpu.memory_space<vmem>>, vector<16xi32>,
    %get3A_104 = arith.constant 64 : index
    %get3A_105 = tpu.vector_load %arg9[%get3A_104] {strides = array<i32>} : memref<512xi32, #tpu.memory_space<vmem>>, vector<16xi32>,
    %get3A_106 = vector.shape_cast %get3A_105 : vector<16xi32> to vector<16xi32>
    %shift_right_arithmetic3A_107 = arith.constant 1 : i32
    %shift_right_arithmetic3A_108 = vector.broadcast %shift_right_arithmetic3A_107 : i32 to vector<16xi32>
    %shift_right_arithmetic3A_109 = arith.shrsi %get3A_106, %shift_right_arithmetic3A_108 : vector<16xi32>
    %swap3A_110 = arith.constant 64 : index
    %swap3A_111 = tpu.vector_load %arg9[%swap3A_110] {strides = array<i32>} : memref<512xi32, #tpu.memory_space<vmem>>, vector<16xi32>,
    %swap3A_112 = vector.shape_cast %swap3A_111 : vector<16xi32> to vector<16xi32>
    %swap3A_113 = vector.shape_cast %shift_right_arithmetic3A_109 : vector<16xi32> to vector<16xi32>
    tpu.vector_store %arg9[%swap3A_110], %swap3A_113 {strides = array<i32>} : memref<512xi32, #tpu.memory_space<vmem>>, vector<16xi32>,
    %get3A_114 = arith.constant 80 : index
    %get3A_115 = tpu.vector_load %arg8[%get3A_114] {strides = array<i32>} : memref<512xi32, #tpu.memory_space<vmem>>, vector<16xi32>,
    %get3A_116 = vector.shape_cast %get3A_115 : vector<16xi32> to vector<16xi32>
    %sub3A_117 = arith.constant 1000000 : i32
    %sub3A_118 = vector.broadcast %sub3A_117 : i32 to vector<16xi32>
    %sub3A_119 = arith.subi %get3A_116, %sub3A_118 : vector<16xi32>
    %shift_right_arithmetic3A_120 = arith.constant 1 : i32
    %shift_right_arithmetic3A_121 = vector.broadcast %shift_right_arithmetic3A_120 : i32 to vector<16xi32>
    %shift_right_arithmetic3A_122 = arith.shrsi %sub3A_119, %shift_right_arithmetic3A_121 : vector<16xi32>
    %swap3A_123 = arith.constant 80 : index
    %swap3A_124 = tpu.vector_load %arg8[%swap3A_123] {strides = array<i32>} : memref<512xi32, #tpu.memory_space<vmem>>, vector<16xi32>,
    %swap3A_125 = vector.shape_cast %swap3A_124 : vector<16xi32> to vector<16xi32>
    %swap3A_126 = vector.shape_cast %shift_right_arithmetic3A_122 : vector<16xi32> to vector<16xi32>
    tpu.vector_store %arg8[%swap3A_123], %swap3A_126 {strides = array<i32>} : memref<512xi32, #tpu.memory_space<vmem>>, vector<16xi32>,
    %get3A_127 = arith.constant 80 : index
    %get3A_128 = tpu.vector_load %arg9[%get3A_127] {strides = array<i32>} : memref<512xi32, #tpu.memory_space<vmem>>, vector<16xi32>,
    %get3A_129 = vector.shape_cast %get3A_128 : vector<16xi32> to vector<16xi32>
    %shift_right_arithmetic3A_130 = arith.constant 1 : i32
    %shift_right_arithmetic3A_131 = vector.broadcast %shift_right_arithmetic3A_130 : i32 to vector<16xi32>
    %shift_right_arithmetic3A_132 = arith.shrsi %get3A_129, %shift_right_arithmetic3A_131 : vector<16xi32>
    %swap3A_133 = arith.constant 80 : index
    %swap3A_134 = tpu.vector_load %arg9[%swap3A_133] {strides = array<i32>} : memref<512xi32, #tpu.memory_space<vmem>>, vector<16xi32>,
    %swap3A_135 = vector.shape_cast %swap3A_134 : vector<16xi32> to vector<16xi32>
    %swap3A_136 = vector.shape_cast %shift_right_arithmetic3A_132 : vector<16xi32> to vector<16xi32>
    tpu.vector_store %arg9[%swap3A_133], %swap3A_136 {strides = array<i32>} : memref<512xi32, #tpu.memory_space<vmem>>, vector<16xi32>,
    %get3A_137 = arith.constant 96 : index
    %get3A_138 = tpu.vector_load %arg8[%get3A_137] {strides = array<i32>} : memref<512xi32, #tpu.memory_space<vmem>>, vector<16xi32>,
    %get3A_139 = vector.shape_cast %get3A_138 : vector<16xi32> to vector<16xi32>
    %sub3A_140 = arith.constant 1000000 : i32
    %sub3A_141 = vector.broadcast %sub3A_140 : i32 to vector<16xi32>
    %sub3A_142 = arith.subi %get3A_139, %sub3A_141 : vector<16xi32>
    %shift_right_arithmetic3A_143 = arith.constant 1 : i32
    %shift_right_arithmetic3A_144 = vector.broadcast %shift_right_arithmetic3A_143 : i32 to vector<16xi32>
    %shift_right_arithmetic3A_145 = arith.shrsi %sub3A_142, %shift_right_arithmetic3A_144 : vector<16xi32>
    %swap3A_146 = arith.constant 96 : index
    %swap3A_147 = tpu.vector_load %arg8[%swap3A_146] {strides = array<i32>} : memref<512xi32, #tpu.memory_space<vmem>>, vector<16xi32>,
    %swap3A_148 = vector.shape_cast %swap3A_147 : vector<16xi32> to vector<16xi32>
    %swap3A_149 = vector.shape_cast %shift_right_arithmetic3A_145 : vector<16xi32> to vector<16xi32>
    tpu.vector_store %arg8[%swap3A_146], %swap3A_149 {strides = array<i32>} : memref<512xi32, #tpu.memory_space<vmem>>, vector<16xi32>,
    %get3A_150 = arith.constant 96 : index
    %get3A_151 = tpu.vector_load %arg9[%get3A_150] {strides = array<i32>} : memref<512xi32, #tpu.memory_space<vmem>>, vector<16xi32>,
    %get3A_152 = vector.shape_cast %get3A_151 : vector<16xi32> to vector<16xi32>
    %shift_right_arithmetic3A_153 = arith.constant 1 : i32
    %shift_right_arithmetic3A_154 = vector.broadcast %shift_right_arithmetic3A_153 : i32 to vector<16xi32>
    %shift_right_arithmetic3A_155 = arith.shrsi %get3A_152, %shift_right_arithmetic3A_154 : vector<16xi32>
    %swap3A_156 = arith.constant 96 : index
    %swap3A_157 = tpu.vector_load %arg9[%swap3A_156] {strides = array<i32>} : memref<512xi32, #tpu.memory_space<vmem>>, vector<16xi32>,
    %swap3A_158 = vector.shape_cast %swap3A_157 : vector<16xi32> to vector<16xi32>
    %swap3A_159 = vector.shape_cast %shift_right_arithmetic3A_155 : vector<16xi32> to vector<16xi32>
    tpu.vector_store %arg9[%swap3A_156], %swap3A_159 {strides = array<i32>} : memref<512xi32, #tpu.memory_space<vmem>>, vector<16xi32>,
    %get3A_160 = arith.constant 112 : index
    %get3A_161 = tpu.vector_load %arg8[%get3A_160] {strides = array<i32>} : memref<512xi32, #tpu.memory_space<vmem>>, vector<16xi32>,
    %get3A_162 = vector.shape_cast %get3A_161 : vector<16xi32> to vector<16xi32>
    %sub3A_163 = arith.constant 1000000 : i32
    %sub3A_164 = vector.broadcast %sub3A_163 : i32 to vector<16xi32>
    %sub3A_165 = arith.subi %get3A_162, %sub3A_164 : vector<16xi32>
    %shift_right_arithmetic3A_166 = arith.constant 1 : i32
    %shift_right_arithmetic3A_167 = vector.broadcast %shift_right_arithmetic3A_166 : i32 to vector<16xi32>
    %shift_right_arithmetic3A_168 = arith.shrsi %sub3A_165, %shift_right_arithmetic3A_167 : vector<16xi32>
    %swap3A_169 = arith.constant 112 : index
    %swap3A_170 = tpu.vector_load %arg8[%swap3A_169] {strides = array<i32>} : memref<512xi32, #tpu.memory_space<vmem>>, vector<16xi32>,
    %swap3A_171 = vector.shape_cast %swap3A_170 : vector<16xi32> to vector<16xi32>
    %swap3A_172 = vector.shape_cast %shift_right_arithmetic3A_168 : vector<16xi32> to vector<16xi32>
    tpu.vector_store %arg8[%swap3A_169], %swap3A_172 {strides = array<i32>} : memref<512xi32, #tpu.memory_space<vmem>>, vector<16xi32>,
    %get3A_173 = arith.constant 112 : index
    %get3A_174 = tpu.vector_load %arg9[%get3A_173] {strides = array<i32>} : memref<512xi32, #tpu.memory_space<vmem>>, vector<16xi32>,
    %get3A_175 = vector.shape_cast %get3A_174 : vector<16xi32> to vector<16xi32>
    %shift_right_arithmetic3A_176 = arith.constant 1 : i32
    %shift_right_arithmetic3A_177 = vector.broadcast %shift_right_arithmetic3A_176 : i32 to vector<16xi32>
    %shift_right_arithmetic3A_178 = arith.shrsi %get3A_175, %shift_right_arithmetic3A_177 : vector<16xi32>
    %swap3A_179 = arith.constant 112 : index
    %swap3A_180 = tpu.vector_load %arg9[%swap3A_179] {strides = array<i32>} : memref<512xi32, #tpu.memory_space<vmem>>, vector<16xi32>,
    %swap3A_181 = vector.shape_cast %swap3A_180 : vector<16xi32> to vector<16xi32>
    %swap3A_182 = vector.shape_cast %shift_right_arithmetic3A_178 : vector<16xi32> to vector<16xi32>
    tpu.vector_store %arg9[%swap3A_179], %swap3A_182 {strides = array<i32>} : memref<512xi32, #tpu.memory_space<vmem>>, vector<16xi32>,
    %get3A_183 = arith.constant 128 : index
    %get3A_184 = tpu.vector_load %arg8[%get3A_183] {strides = array<i32>} : memref<512xi32, #tpu.memory_space<vmem>>, vector<16xi32>,
    %get3A_185 = vector.shape_cast %get3A_184 : vector<16xi32> to vector<16xi32>
    %sub3A_186 = arith.constant 1000000 : i32
    %sub3A_187 = vector.broadcast %sub3A_186 : i32 to vector<16xi32>
    %sub3A_188 = arith.subi %get3A_185, %sub3A_187 : vector<16xi32>
    %shift_right_arithmetic3A_189 = arith.constant 1 : i32
    %shift_right_arithmetic3A_190 = vector.broadcast %shift_right_arithmetic3A_189 : i32 to vector<16xi32>
    %shift_right_arithmetic3A_191 = arith.shrsi %sub3A_188, %shift_right_arithmetic3A_190 : vector<16xi32>
    %swap3A_192 = arith.constant 128 : index
    %swap3A_193 = tpu.vector_load %arg8[%swap3A_192] {strides = array<i32>} : memref<512xi32, #tpu.memory_space<vmem>>, vector<16xi32>,
    %swap3A_194 = vector.shape_cast %swap3A_193 : vector<16xi32> to vector<16xi32>
    %swap3A_195 = vector.shape_cast %shift_right_arithmetic3A_191 : vector<16xi32> to vector<16xi32>
    tpu.vector_store %arg8[%swap3A_192], %swap3A_195 {strides = array<i32>} : memref<512xi32, #tpu.memory_space<vmem>>, vector<16xi32>,
    %get3A_196 = arith.constant 128 : index
    %get3A_197 = tpu.vector_load %arg9[%get3A_196] {strides = array<i32>} : memref<512xi32, #tpu.memory_space<vmem>>, vector<16xi32>,
    %get3A_198 = vector.shape_cast %get3A_197 : vector<16xi32> to vector<16xi32>
    %shift_right_arithmetic3A_199 = arith.constant 1 : i32
    %shift_right_arithmetic3A_200 = vector.broadcast %shift_right_arithmetic3A_199 : i32 to vector<16xi32>
    %shift_right_arithmetic3A_201 = arith.shrsi %get3A_198, %shift_right_arithmetic3A_200 : vector<16xi32>
    %swap3A_202 = arith.constant 128 : index
    %swap3A_203 = tpu.vector_load %arg9[%swap3A_202] {strides = array<i32>} : memref<512xi32, #tpu.memory_space<vmem>>, vector<16xi32>,
    %swap3A_204 = vector.shape_cast %swap3A_203 : vector<16xi32> to vector<16xi32>
    %swap3A_205 = vector.shape_cast %shift_right_arithmetic3A_201 : vector<16xi32> to vector<16xi32>
    tpu.vector_store %arg9[%swap3A_202], %swap3A_205 {strides = array<i32>} : memref<512xi32, #tpu.memory_space<vmem>>, vector<16xi32>,
    %get3A_206 = arith.constant 144 : index
    %get3A_207 = tpu.vector_load %arg8[%get3A_206] {strides = array<i32>} : memref<512xi32, #tpu.memory_space<vmem>>, vector<16xi32>,
    %get3A_208 = vector.shape_cast %get3A_207 : vector<16xi32> to vector<16xi32>
    %sub3A_209 = arith.constant 1000000 : i32
    %sub3A_210 = vector.broadcast %sub3A_209 : i32 to vector<16xi32>
    %sub3A_211 = arith.subi %get3A_208, %sub3A_210 : vector<16xi32>
    %shift_right_arithmetic3A_212 = arith.constant 1 : i32
    %shift_right_arithmetic3A_213 = vector.broadcast %shift_right_arithmetic3A_212 : i32 to vector<16xi32>
    %shift_right_arithmetic3A_214 = arith.shrsi %sub3A_211, %shift_right_arithmetic3A_213 : vector<16xi32>
    %swap3A_215 = arith.constant 144 : index
    %swap3A_216 = tpu.vector_load %arg8[%swap3A_215] {strides = array<i32>} : memref<512xi32, #tpu.memory_space<vmem>>, vector<16xi32>,
    %swap3A_217 = vector.shape_cast %swap3A_216 : vector<16xi32> to vector<16xi32>
    %swap3A_218 = vector.shape_cast %shift_right_arithmetic3A_214 : vector<16xi32> to vector<16xi32>
    tpu.vector_store %arg8[%swap3A_215], %swap3A_218 {strides = array<i32>} : memref<512xi32, #tpu.memory_space<vmem>>, vector<16xi32>,
    %get3A_219 = arith.constant 144 : index
    %get3A_220 = tpu.vector_load %arg9[%get3A_219] {strides = array<i32>} : memref<512xi32, #tpu.memory_space<vmem>>, vector<16xi32>,
    %get3A_221 = vector.shape_cast %get3A_220 : vector<16xi32> to vector<16xi32>
    %shift_right_arithmetic3A_222 = arith.constant 1 : i32
    %shift_right_arithmetic3A_223 = vector.broadcast %shift_right_arithmetic3A_222 : i32 to vector<16xi32>
    %shift_right_arithmetic3A_224 = arith.shrsi %get3A_221, %shift_right_arithmetic3A_223 : vector<16xi32>
    %swap3A_225 = arith.constant 144 : index
    %swap3A_226 = tpu.vector_load %arg9[%swap3A_225] {strides = array<i32>} : memref<512xi32, #tpu.memory_space<vmem>>, vector<16xi32>,
    %swap3A_227 = vector.shape_cast %swap3A_226 : vector<16xi32> to vector<16xi32>
    %swap3A_228 = vector.shape_cast %shift_right_arithmetic3A_224 : vector<16xi32> to vector<16xi32>
    tpu.vector_store %arg9[%swap3A_225], %swap3A_228 {strides = array<i32>} : memref<512xi32, #tpu.memory_space<vmem>>, vector<16xi32>,
    %get3A_229 = arith.constant 160 : index
    %get3A_230 = tpu.vector_load %arg8[%get3A_229] {strides = array<i32>} : memref<512xi32, #tpu.memory_space<vmem>>, vector<16xi32>,
    %get3A_231 = vector.shape_cast %get3A_230 : vector<16xi32> to vector<16xi32>
    %sub3A_232 = arith.constant 1000000 : i32
    %sub3A_233 = vector.broadcast %sub3A_232 : i32 to vector<16xi32>
    %sub3A_234 = arith.subi %get3A_231, %sub3A_233 : vector<16xi32>
    %shift_right_arithmetic3A_235 = arith.constant 1 : i32
    %shift_right_arithmetic3A_236 = vector.broadcast %shift_right_arithmetic3A_235 : i32 to vector<16xi32>
    %shift_right_arithmetic3A_237 = arith.shrsi %sub3A_234, %shift_right_arithmetic3A_236 : vector<16xi32>
    %swap3A_238 = arith.constant 160 : index
    %swap3A_239 = tpu.vector_load %arg8[%swap3A_238] {strides = array<i32>} : memref<512xi32, #tpu.memory_space<vmem>>, vector<16xi32>,
    %swap3A_240 = vector.shape_cast %swap3A_239 : vector<16xi32> to vector<16xi32>
    %swap3A_241 = vector.shape_cast %shift_right_arithmetic3A_237 : vector<16xi32> to vector<16xi32>
    tpu.vector_store %arg8[%swap3A_238], %swap3A_241 {strides = array<i32>} : memref<512xi32, #tpu.memory_space<vmem>>, vector<16xi32>,
    %get3A_242 = arith.constant 160 : index
    %get3A_243 = tpu.vector_load %arg9[%get3A_242] {strides = array<i32>} : memref<512xi32, #tpu.memory_space<vmem>>, vector<16xi32>,
    %get3A_244 = vector.shape_cast %get3A_243 : vector<16xi32> to vector<16xi32>
    %shift_right_arithmetic3A_245 = arith.constant 1 : i32
    %shift_right_arithmetic3A_246 = vector.broadcast %shift_right_arithmetic3A_245 : i32 to vector<16xi32>
    %shift_right_arithmetic3A_247 = arith.shrsi %get3A_244, %shift_right_arithmetic3A_246 : vector<16xi32>
    %swap3A_248 = arith.constant 160 : index
    %swap3A_249 = tpu.vector_load %arg9[%swap3A_248] {strides = array<i32>} : memref<512xi32, #tpu.memory_space<vmem>>, vector<16xi32>,
    %swap3A_250 = vector.shape_cast %swap3A_249 : vector<16xi32> to vector<16xi32>
    %swap3A_251 = vector.shape_cast %shift_right_arithmetic3A_247 : vector<16xi32> to vector<16xi32>
    tpu.vector_store %arg9[%swap3A_248], %swap3A_251 {strides = array<i32>} : memref<512xi32, #tpu.memory_space<vmem>>, vector<16xi32>,
    %get3A_252 = arith.constant 176 : index
    %get3A_253 = tpu.vector_load %arg8[%get3A_252] {strides = array<i32>} : memref<512xi32, #tpu.memory_space<vmem>>, vector<16xi32>,
    %get3A_254 = vector.shape_cast %get3A_253 : vector<16xi32> to vector<16xi32>
    %sub3A_255 = arith.constant 1000000 : i32
    %sub3A_256 = vector.broadcast %sub3A_255 : i32 to vector<16xi32>
    %sub3A_257 = arith.subi %get3A_254, %sub3A_256 : vector<16xi32>
    %shift_right_arithmetic3A_258 = arith.constant 1 : i32
    %shift_right_arithmetic3A_259 = vector.broadcast %shift_right_arithmetic3A_258 : i32 to vector<16xi32>
    %shift_right_arithmetic3A_260 = arith.shrsi %sub3A_257, %shift_right_arithmetic3A_259 : vector<16xi32>
    %swap3A_261 = arith.constant 176 : index
    %swap3A_262 = tpu.vector_load %arg8[%swap3A_261] {strides = array<i32>} : memref<512xi32, #tpu.memory_space<vmem>>, vector<16xi32>,
    %swap3A_263 = vector.shape_cast %swap3A_262 : vector<16xi32> to vector<16xi32>
    %swap3A_264 = vector.shape_cast %shift_right_arithmetic3A_260 : vector<16xi32> to vector<16xi32>
    tpu.vector_store %arg8[%swap3A_261], %swap3A_264 {strides = array<i32>} : memref<512xi32, #tpu.memory_space<vmem>>, vector<16xi32>,
    %get3A_265 = arith.constant 176 : index
    %get3A_266 = tpu.vector_load %arg9[%get3A_265] {strides = array<i32>} : memref<512xi32, #tpu.memory_space<vmem>>, vector<16xi32>,
    %get3A_267 = vector.shape_cast %get3A_266 : vector<16xi32> to vector<16xi32>
    %shift_right_arithmetic3A_268 = arith.constant 1 : i32
    %shift_right_arithmetic3A_269 = vector.broadcast %shift_right_arithmetic3A_268 : i32 to vector<16xi32>
    %shift_right_arithmetic3A_270 = arith.shrsi %get3A_267, %shift_right_arithmetic3A_269 : vector<16xi32>
    %swap3A_271 = arith.constant 176 : index
    %swap3A_272 = tpu.vector_load %arg9[%swap3A_271] {strides = array<i32>} : memref<512xi32, #tpu.memory_space<vmem>>, vector<16xi32>,
    %swap3A_273 = vector.shape_cast %swap3A_272 : vector<16xi32> to vector<16xi32>
    %swap3A_274 = vector.shape_cast %shift_right_arithmetic3A_270 : vector<16xi32> to vector<16xi32>
    tpu.vector_store %arg9[%swap3A_271], %swap3A_274 {strides = array<i32>} : memref<512xi32, #tpu.memory_space<vmem>>, vector<16xi32>,
    %get3A_275 = arith.constant 192 : index
    %get3A_276 = tpu.vector_load %arg8[%get3A_275] {strides = array<i32>} : memref<512xi32, #tpu.memory_space<vmem>>, vector<16xi32>,
    %get3A_277 = vector.shape_cast %get3A_276 : vector<16xi32> to vector<16xi32>
    %sub3A_278 = arith.constant 1000000 : i32
    %sub3A_279 = vector.broadcast %sub3A_278 : i32 to vector<16xi32>
    %sub3A_280 = arith.subi %get3A_277, %sub3A_279 : vector<16xi32>
    %shift_right_arithmetic3A_281 = arith.constant 1 : i32
    %shift_right_arithmetic3A_282 = vector.broadcast %shift_right_arithmetic3A_281 : i32 to vector<16xi32>
    %shift_right_arithmetic3A_283 = arith.shrsi %sub3A_280, %shift_right_arithmetic3A_282 : vector<16xi32>
    %swap3A_284 = arith.constant 192 : index
    %swap3A_285 = tpu.vector_load %arg8[%swap3A_284] {strides = array<i32>} : memref<512xi32, #tpu.memory_space<vmem>>, vector<16xi32>,
    %swap3A_286 = vector.shape_cast %swap3A_285 : vector<16xi32> to vector<16xi32>
    %swap3A_287 = vector.shape_cast %shift_right_arithmetic3A_283 : vector<16xi32> to vector<16xi32>
    tpu.vector_store %arg8[%swap3A_284], %swap3A_287 {strides = array<i32>} : memref<512xi32, #tpu.memory_space<vmem>>, vector<16xi32>,
    %get3A_288 = arith.constant 192 : index
    %get3A_289 = tpu.vector_load %arg9[%get3A_288] {strides = array<i32>} : memref<512xi32, #tpu.memory_space<vmem>>, vector<16xi32>,
    %get3A_290 = vector.shape_cast %get3A_289 : vector<16xi32> to vector<16xi32>
    %shift_right_arithmetic3A_291 = arith.constant 1 : i32
    %shift_right_arithmetic3A_292 = vector.broadcast %shift_right_arithmetic3A_291 : i32 to vector<16xi32>
    %shift_right_arithmetic3A_293 = arith.shrsi %get3A_290, %shift_right_arithmetic3A_292 : vector<16xi32>
    %swap3A_294 = arith.constant 192 : index
    %swap3A_295 = tpu.vector_load %arg9[%swap3A_294] {strides = array<i32>} : memref<512xi32, #tpu.memory_space<vmem>>, vector<16xi32>,
    %swap3A_296 = vector.shape_cast %swap3A_295 : vector<16xi32> to vector<16xi32>
    %swap3A_297 = vector.shape_cast %shift_right_arithmetic3A_293 : vector<16xi32> to vector<16xi32>
    tpu.vector_store %arg9[%swap3A_294], %swap3A_297 {strides = array<i32>} : memref<512xi32, #tpu.memory_space<vmem>>, vector<16xi32>,
    %get3A_298 = arith.constant 208 : index
    %get3A_299 = tpu.vector_load %arg8[%get3A_298] {strides = array<i32>} : memref<512xi32, #tpu.memory_space<vmem>>, vector<16xi32>,
    %get3A_300 = vector.shape_cast %get3A_299 : vector<16xi32> to vector<16xi32>
    %sub3A_301 = arith.constant 1000000 : i32
    %sub3A_302 = vector.broadcast %sub3A_301 : i32 to vector<16xi32>
    %sub3A_303 = arith.subi %get3A_300, %sub3A_302 : vector<16xi32>
    %shift_right_arithmetic3A_304 = arith.constant 1 : i32
    %shift_right_arithmetic3A_305 = vector.broadcast %shift_right_arithmetic3A_304 : i32 to vector<16xi32>
    %shift_right_arithmetic3A_306 = arith.shrsi %sub3A_303, %shift_right_arithmetic3A_305 : vector<16xi32>
    %swap3A_307 = arith.constant 208 : index
    %swap3A_308 = tpu.vector_load %arg8[%swap3A_307] {strides = array<i32>} : memref<512xi32, #tpu.memory_space<vmem>>, vector<16xi32>,
    %swap3A_309 = vector.shape_cast %swap3A_308 : vector<16xi32> to vector<16xi32>
    %swap3A_310 = vector.shape_cast %shift_right_arithmetic3A_306 : vector<16xi32> to vector<16xi32>
    tpu.vector_store %arg8[%swap3A_307], %swap3A_310 {strides = array<i32>} : memref<512xi32, #tpu.memory_space<vmem>>, vector<16xi32>,
    %get3A_311 = arith.constant 208 : index
    %get3A_312 = tpu.vector_load %arg9[%get3A_311] {strides = array<i32>} : memref<512xi32, #tpu.memory_space<vmem>>, vector<16xi32>,
    %get3A_313 = vector.shape_cast %get3A_312 : vector<16xi32> to vector<16xi32>
    %shift_right_arithmetic3A_314 = arith.constant 1 : i32
    %shift_right_arithmetic3A_315 = vector.broadcast %shift_right_arithmetic3A_314 : i32 to vector<16xi32>
    %shift_right_arithmetic3A_316 = arith.shrsi %get3A_313, %shift_right_arithmetic3A_315 : vector<16xi32>
    %swap3A_317 = arith.constant 208 : index
    %swap3A_318 = tpu.vector_load %arg9[%swap3A_317] {strides = array<i32>} : memref<512xi32, #tpu.memory_space<vmem>>, vector<16xi32>,
    %swap3A_319 = vector.shape_cast %swap3A_318 : vector<16xi32> to vector<16xi32>
    %swap3A_320 = vector.shape_cast %shift_right_arithmetic3A_316 : vector<16xi32> to vector<16xi32>
    tpu.vector_store %arg9[%swap3A_317], %swap3A_320 {strides = array<i32>} : memref<512xi32, #tpu.memory_space<vmem>>, vector<16xi32>,
    %get3A_321 = arith.constant 224 : index
    %get3A_322 = tpu.vector_load %arg8[%get3A_321] {strides = array<i32>} : memref<512xi32, #tpu.memory_space<vmem>>, vector<16xi32>,
    %get3A_323 = vector.shape_cast %get3A_322 : vector<16xi32> to vector<16xi32>
    %sub3A_324 = arith.constant 1000000 : i32
    %sub3A_325 = vector.broadcast %sub3A_324 : i32 to vector<16xi32>
    %sub3A_326 = arith.subi %get3A_323, %sub3A_325 : vector<16xi32>
    %shift_right_arithmetic3A_327 = arith.constant 1 : i32
    %shift_right_arithmetic3A_328 = vector.broadcast %shift_right_arithmetic3A_327 : i32 to vector<16xi32>
    %shift_right_arithmetic3A_329 = arith.shrsi %sub3A_326, %shift_right_arithmetic3A_328 : vector<16xi32>
    %swap3A_330 = arith.constant 224 : index
    %swap3A_331 = tpu.vector_load %arg8[%swap3A_330] {strides = array<i32>} : memref<512xi32, #tpu.memory_space<vmem>>, vector<16xi32>,
    %swap3A_332 = vector.shape_cast %swap3A_331 : vector<16xi32> to vector<16xi32>
    %swap3A_333 = vector.shape_cast %shift_right_arithmetic3A_329 : vector<16xi32> to vector<16xi32>
    tpu.vector_store %arg8[%swap3A_330], %swap3A_333 {strides = array<i32>} : memref<512xi32, #tpu.memory_space<vmem>>, vector<16xi32>,
    %get3A_334 = arith.constant 224 : index
    %get3A_335 = tpu.vector_load %arg9[%get3A_334] {strides = array<i32>} : memref<512xi32, #tpu.memory_space<vmem>>, vector<16xi32>,
    %get3A_336 = vector.shape_cast %get3A_335 : vector<16xi32> to vector<16xi32>
    %shift_right_arithmetic3A_337 = arith.constant 1 : i32
    %shift_right_arithmetic3A_338 = vector.broadcast %shift_right_arithmetic3A_337 : i32 to vector<16xi32>
    %shift_right_arithmetic3A_339 = arith.shrsi %get3A_336, %shift_right_arithmetic3A_338 : vector<16xi32>
    %swap3A_340 = arith.constant 224 : index
    %swap3A_341 = tpu.vector_load %arg9[%swap3A_340] {strides = array<i32>} : memref<512xi32, #tpu.memory_space<vmem>>, vector<16xi32>,
    %swap3A_342 = vector.shape_cast %swap3A_341 : vector<16xi32> to vector<16xi32>
    %swap3A_343 = vector.shape_cast %shift_right_arithmetic3A_339 : vector<16xi32> to vector<16xi32>
    tpu.vector_store %arg9[%swap3A_340], %swap3A_343 {strides = array<i32>} : memref<512xi32, #tpu.memory_space<vmem>>, vector<16xi32>,
    %get3A_344 = arith.constant 240 : index
    %get3A_345 = tpu.vector_load %arg8[%get3A_344] {strides = array<i32>} : memref<512xi32, #tpu.memory_space<vmem>>, vector<16xi32>,
    %get3A_346 = vector.shape_cast %get3A_345 : vector<16xi32> to vector<16xi32>
    %sub3A_347 = arith.constant 1000000 : i32
    %sub3A_348 = vector.broadcast %sub3A_347 : i32 to vector<16xi32>
    %sub3A_349 = arith.subi %get3A_346, %sub3A_348 : vector<16xi32>
    %shift_right_arithmetic3A_350 = arith.constant 1 : i32
    %shift_right_arithmetic3A_351 = vector.broadcast %shift_right_arithmetic3A_350 : i32 to vector<16xi32>
    %shift_right_arithmetic3A_352 = arith.shrsi %sub3A_349, %shift_right_arithmetic3A_351 : vector<16xi32>
    %swap3A_353 = arith.constant 240 : index
    %swap3A_354 = tpu.vector_load %arg8[%swap3A_353] {strides = array<i32>} : memref<512xi32, #tpu.memory_space<vmem>>, vector<16xi32>,
    %swap3A_355 = vector.shape_cast %swap3A_354 : vector<16xi32> to vector<16xi32>
    %swap3A_356 = vector.shape_cast %shift_right_arithmetic3A_352 : vector<16xi32> to vector<16xi32>
    tpu.vector_store %arg8[%swap3A_353], %swap3A_356 {strides = array<i32>} : memref<512xi32, #tpu.memory_space<vmem>>, vector<16xi32>,
    %get3A_357 = arith.constant 240 : index
    %get3A_358 = tpu.vector_load %arg9[%get3A_357] {strides = array<i32>} : memref<512xi32, #tpu.memory_space<vmem>>, vector<16xi32>,
    %get3A_359 = vector.shape_cast %get3A_358 : vector<16xi32> to vector<16xi32>
    %shift_right_arithmetic3A_360 = arith.constant 1 : i32
    %shift_right_arithmetic3A_361 = vector.broadcast %shift_right_arithmetic3A_360 : i32 to vector<16xi32>
    %shift_right_arithmetic3A_362 = arith.shrsi %get3A_359, %shift_right_arithmetic3A_361 : vector<16xi32>
    %swap3A_363 = arith.constant 240 : index
    %swap3A_364 = tpu.vector_load %arg9[%swap3A_363] {strides = array<i32>} : memref<512xi32, #tpu.memory_space<vmem>>, vector<16xi32>,
    %swap3A_365 = vector.shape_cast %swap3A_364 : vector<16xi32> to vector<16xi32>
    %swap3A_366 = vector.shape_cast %shift_right_arithmetic3A_362 : vector<16xi32> to vector<16xi32>
    tpu.vector_store %arg9[%swap3A_363], %swap3A_366 {strides = array<i32>} : memref<512xi32, #tpu.memory_space<vmem>>, vector<16xi32>,
    %get3A_367 = arith.constant 256 : index
    %get3A_368 = tpu.vector_load %arg8[%get3A_367] {strides = array<i32>} : memref<512xi32, #tpu.memory_space<vmem>>, vector<16xi32>,
    %get3A_369 = vector.shape_cast %get3A_368 : vector<16xi32> to vector<16xi32>
    %sub3A_370 = arith.constant 1000000 : i32
    %sub3A_371 = vector.broadcast %sub3A_370 : i32 to vector<16xi32>
    %sub3A_372 = arith.subi %get3A_369, %sub3A_371 : vector<16xi32>
    %shift_right_arithmetic3A_373 = arith.constant 1 : i32
    %shift_right_arithmetic3A_374 = vector.broadcast %shift_right_arithmetic3A_373 : i32 to vector<16xi32>
    %shift_right_arithmetic3A_375 = arith.shrsi %sub3A_372, %shift_right_arithmetic3A_374 : vector<16xi32>
    %swap3A_376 = arith.constant 256 : index
    %swap3A_377 = tpu.vector_load %arg8[%swap3A_376] {strides = array<i32>} : memref<512xi32, #tpu.memory_space<vmem>>, vector<16xi32>,
    %swap3A_378 = vector.shape_cast %swap3A_377 : vector<16xi32> to vector<16xi32>
    %swap3A_379 = vector.shape_cast %shift_right_arithmetic3A_375 : vector<16xi32> to vector<16xi32>
    tpu.vector_store %arg8[%swap3A_376], %swap3A_379 {strides = array<i32>} : memref<512xi32, #tpu.memory_space<vmem>>, vector<16xi32>,
    %get3A_380 = arith.constant 256 : index
    %get3A_381 = tpu.vector_load %arg9[%get3A_380] {strides = array<i32>} : memref<512xi32, #tpu.memory_space<vmem>>, vector<16xi32>,
    %get3A_382 = vector.shape_cast %get3A_381 : vector<16xi32> to vector<16xi32>
    %shift_right_arithmetic3A_383 = arith.constant 1 : i32
    %shift_right_arithmetic3A_384 = vector.broadcast %shift_right_arithmetic3A_383 : i32 to vector<16xi32>
    %shift_right_arithmetic3A_385 = arith.shrsi %get3A_382, %shift_right_arithmetic3A_384 : vector<16xi32>
    %swap3A_386 = arith.constant 256 : index
    %swap3A_387 = tpu.vector_load %arg9[%swap3A_386] {strides = array<i32>} : memref<512xi32, #tpu.memory_space<vmem>>, vector<16xi32>,
    %swap3A_388 = vector.shape_cast %swap3A_387 : vector<16xi32> to vector<16xi32>
    %swap3A_389 = vector.shape_cast %shift_right_arithmetic3A_385 : vector<16xi32> to vector<16xi32>
    tpu.vector_store %arg9[%swap3A_386], %swap3A_389 {strides = array<i32>} : memref<512xi32, #tpu.memory_space<vmem>>, vector<16xi32>,
    %get3A_390 = arith.constant 272 : index
    %get3A_391 = tpu.vector_load %arg8[%get3A_390] {strides = array<i32>} : memref<512xi32, #tpu.memory_space<vmem>>, vector<16xi32>,
    %get3A_392 = vector.shape_cast %get3A_391 : vector<16xi32> to vector<16xi32>
    %sub3A_393 = arith.constant 1000000 : i32
    %sub3A_394 = vector.broadcast %sub3A_393 : i32 to vector<16xi32>
    %sub3A_395 = arith.subi %get3A_392, %sub3A_394 : vector<16xi32>
    %shift_right_arithmetic3A_396 = arith.constant 1 : i32
    %shift_right_arithmetic3A_397 = vector.broadcast %shift_right_arithmetic3A_396 : i32 to vector<16xi32>
    %shift_right_arithmetic3A_398 = arith.shrsi %sub3A_395, %shift_right_arithmetic3A_397 : vector<16xi32>
    %swap3A_399 = arith.constant 272 : index
    %swap3A_400 = tpu.vector_load %arg8[%swap3A_399] {strides = array<i32>} : memref<512xi32, #tpu.memory_space<vmem>>, vector<16xi32>,
    %swap3A_401 = vector.shape_cast %swap3A_400 : vector<16xi32> to vector<16xi32>
    %swap3A_402 = vector.shape_cast %shift_right_arithmetic3A_398 : vector<16xi32> to vector<16xi32>
    tpu.vector_store %arg8[%swap3A_399], %swap3A_402 {strides = array<i32>} : memref<512xi32, #tpu.memory_space<vmem>>, vector<16xi32>,
    %get3A_403 = arith.constant 272 : index
    %get3A_404 = tpu.vector_load %arg9[%get3A_403] {strides = array<i32>} : memref<512xi32, #tpu.memory_space<vmem>>, vector<16xi32>,
    %get3A_405 = vector.shape_cast %get3A_404 : vector<16xi32> to vector<16xi32>
    %shift_right_arithmetic3A_406 = arith.constant 1 : i32
    %shift_right_arithmetic3A_407 = vector.broadcast %shift_right_arithmetic3A_406 : i32 to vector<16xi32>
    %shift_right_arithmetic3A_408 = arith.shrsi %get3A_405, %shift_right_arithmetic3A_407 : vector<16xi32>
    %swap3A_409 = arith.constant 272 : index
    %swap3A_410 = tpu.vector_load %arg9[%swap3A_409] {strides = array<i32>} : memref<512xi32, #tpu.memory_space<vmem>>, vector<16xi32>,
    %swap3A_411 = vector.shape_cast %swap3A_410 : vector<16xi32> to vector<16xi32>
    %swap3A_412 = vector.shape_cast %shift_right_arithmetic3A_408 : vector<16xi32> to vector<16xi32>
    tpu.vector_store %arg9[%swap3A_409], %swap3A_412 {strides = array<i32>} : memref<512xi32, #tpu.memory_space<vmem>>, vector<16xi32>,
    %get3A_413 = arith.constant 288 : index
    %get3A_414 = tpu.vector_load %arg8[%get3A_413] {strides = array<i32>} : memref<512xi32, #tpu.memory_space<vmem>>, vector<16xi32>,
    %get3A_415 = vector.shape_cast %get3A_414 : vector<16xi32> to vector<16xi32>
    %sub3A_416 = arith.constant 1000000 : i32
    %sub3A_417 = vector.broadcast %sub3A_416 : i32 to vector<16xi32>
    %sub3A_418 = arith.subi %get3A_415, %sub3A_417 : vector<16xi32>
    %shift_right_arithmetic3A_419 = arith.constant 1 : i32
    %shift_right_arithmetic3A_420 = vector.broadcast %shift_right_arithmetic3A_419 : i32 to vector<16xi32>
    %shift_right_arithmetic3A_421 = arith.shrsi %sub3A_418, %shift_right_arithmetic3A_420 : vector<16xi32>
    %swap3A_422 = arith.constant 288 : index
    %swap3A_423 = tpu.vector_load %arg8[%swap3A_422] {strides = array<i32>} : memref<512xi32, #tpu.memory_space<vmem>>, vector<16xi32>,
    %swap3A_424 = vector.shape_cast %swap3A_423 : vector<16xi32> to vector<16xi32>
    %swap3A_425 = vector.shape_cast %shift_right_arithmetic3A_421 : vector<16xi32> to vector<16xi32>
    tpu.vector_store %arg8[%swap3A_422], %swap3A_425 {strides = array<i32>} : memref<512xi32, #tpu.memory_space<vmem>>, vector<16xi32>,
    %get3A_426 = arith.constant 288 : index
    %get3A_427 = tpu.vector_load %arg9[%get3A_426] {strides = array<i32>} : memref<512xi32, #tpu.memory_space<vmem>>, vector<16xi32>,
    %get3A_428 = vector.shape_cast %get3A_427 : vector<16xi32> to vector<16xi32>
    %shift_right_arithmetic3A_429 = arith.constant 1 : i32
    %shift_right_arithmetic3A_430 = vector.broadcast %shift_right_arithmetic3A_429 : i32 to vector<16xi32>
    %shift_right_arithmetic3A_431 = arith.shrsi %get3A_428, %shift_right_arithmetic3A_430 : vector<16xi32>
    %swap3A_432 = arith.constant 288 : index
    %swap3A_433 = tpu.vector_load %arg9[%swap3A_432] {strides = array<i32>} : memref<512xi32, #tpu.memory_space<vmem>>, vector<16xi32>,
    %swap3A_434 = vector.shape_cast %swap3A_433 : vector<16xi32> to vector<16xi32>
    %swap3A_435 = vector.shape_cast %shift_right_arithmetic3A_431 : vector<16xi32> to vector<16xi32>
    tpu.vector_store %arg9[%swap3A_432], %swap3A_435 {strides = array<i32>} : memref<512xi32, #tpu.memory_space<vmem>>, vector<16xi32>,
    %get3A_436 = arith.constant 304 : index
    %get3A_437 = tpu.vector_load %arg8[%get3A_436] {strides = array<i32>} : memref<512xi32, #tpu.memory_space<vmem>>, vector<16xi32>,
    %get3A_438 = vector.shape_cast %get3A_437 : vector<16xi32> to vector<16xi32>
    %sub3A_439 = arith.constant 1000000 : i32
    %sub3A_440 = vector.broadcast %sub3A_439 : i32 to vector<16xi32>
    %sub3A_441 = arith.subi %get3A_438, %sub3A_440 : vector<16xi32>
    %shift_right_arithmetic3A_442 = arith.constant 1 : i32
    %shift_right_arithmetic3A_443 = vector.broadcast %shift_right_arithmetic3A_442 : i32 to vector<16xi32>
    %shift_right_arithmetic3A_444 = arith.shrsi %sub3A_441, %shift_right_arithmetic3A_443 : vector<16xi32>
    %swap3A_445 = arith.constant 304 : index
    %swap3A_446 = tpu.vector_load %arg8[%swap3A_445] {strides = array<i32>} : memref<512xi32, #tpu.memory_space<vmem>>, vector<16xi32>,
    %swap3A_447 = vector.shape_cast %swap3A_446 : vector<16xi32> to vector<16xi32>
    %swap3A_448 = vector.shape_cast %shift_right_arithmetic3A_444 : vector<16xi32> to vector<16xi32>
    tpu.vector_store %arg8[%swap3A_445], %swap3A_448 {strides = array<i32>} : memref<512xi32, #tpu.memory_space<vmem>>, vector<16xi32>,
    %get3A_449 = arith.constant 304 : index
    %get3A_450 = tpu.vector_load %arg9[%get3A_449] {strides = array<i32>} : memref<512xi32, #tpu.memory_space<vmem>>, vector<16xi32>,
    %get3A_451 = vector.shape_cast %get3A_450 : vector<16xi32> to vector<16xi32>
    %shift_right_arithmetic3A_452 = arith.constant 1 : i32
    %shift_right_arithmetic3A_453 = vector.broadcast %shift_right_arithmetic3A_452 : i32 to vector<16xi32>
    %shift_right_arithmetic3A_454 = arith.shrsi %get3A_451, %shift_right_arithmetic3A_453 : vector<16xi32>
    %swap3A_455 = arith.constant 304 : index
    %swap3A_456 = tpu.vector_load %arg9[%swap3A_455] {strides = array<i32>} : memref<512xi32, #tpu.memory_space<vmem>>, vector<16xi32>,
    %swap3A_457 = vector.shape_cast %swap3A_456 : vector<16xi32> to vector<16xi32>
    %swap3A_458 = vector.shape_cast %shift_right_arithmetic3A_454 : vector<16xi32> to vector<16xi32>
    tpu.vector_store %arg9[%swap3A_455], %swap3A_458 {strides = array<i32>} : memref<512xi32, #tpu.memory_space<vmem>>, vector<16xi32>,
    %get3A_459 = arith.constant 320 : index
    %get3A_460 = tpu.vector_load %arg8[%get3A_459] {strides = array<i32>} : memref<512xi32, #tpu.memory_space<vmem>>, vector<16xi32>,
    %get3A_461 = vector.shape_cast %get3A_460 : vector<16xi32> to vector<16xi32>
    %sub3A_462 = arith.constant 1000000 : i32
    %sub3A_463 = vector.broadcast %sub3A_462 : i32 to vector<16xi32>
    %sub3A_464 = arith.subi %get3A_461, %sub3A_463 : vector<16xi32>
    %shift_right_arithmetic3A_465 = arith.constant 1 : i32
    %shift_right_arithmetic3A_466 = vector.broadcast %shift_right_arithmetic3A_465 : i32 to vector<16xi32>
    %shift_right_arithmetic3A_467 = arith.shrsi %sub3A_464, %shift_right_arithmetic3A_466 : vector<16xi32>
    %swap3A_468 = arith.constant 320 : index
    %swap3A_469 = tpu.vector_load %arg8[%swap3A_468] {strides = array<i32>} : memref<512xi32, #tpu.memory_space<vmem>>, vector<16xi32>,
    %swap3A_470 = vector.shape_cast %swap3A_469 : vector<16xi32> to vector<16xi32>
    %swap3A_471 = vector.shape_cast %shift_right_arithmetic3A_467 : vector<16xi32> to vector<16xi32>
    tpu.vector_store %arg8[%swap3A_468], %swap3A_471 {strides = array<i32>} : memref<512xi32, #tpu.memory_space<vmem>>, vector<16xi32>,
    %get3A_472 = arith.constant 320 : index
    %get3A_473 = tpu.vector_load %arg9[%get3A_472] {strides = array<i32>} : memref<512xi32, #tpu.memory_space<vmem>>, vector<16xi32>,
    %get3A_474 = vector.shape_cast %get3A_473 : vector<16xi32> to vector<16xi32>
    %shift_right_arithmetic3A_475 = arith.constant 1 : i32
    %shift_right_arithmetic3A_476 = vector.broadcast %shift_right_arithmetic3A_475 : i32 to vector<16xi32>
    %shift_right_arithmetic3A_477 = arith.shrsi %get3A_474, %shift_right_arithmetic3A_476 : vector<16xi32>
    %swap3A_478 = arith.constant 320 : index
    %swap3A_479 = tpu.vector_load %arg9[%swap3A_478] {strides = array<i32>} : memref<512xi32, #tpu.memory_space<vmem>>, vector<16xi32>,
    %swap3A_480 = vector.shape_cast %swap3A_479 : vector<16xi32> to vector<16xi32>
    %swap3A_481 = vector.shape_cast %shift_right_arithmetic3A_477 : vector<16xi32> to vector<16xi32>
    tpu.vector_store %arg9[%swap3A_478], %swap3A_481 {strides = array<i32>} : memref<512xi32, #tpu.memory_space<vmem>>, vector<16xi32>,
    %get3A_482 = arith.constant 336 : index
    %get3A_483 = tpu.vector_load %arg8[%get3A_482] {strides = array<i32>} : memref<512xi32, #tpu.memory_space<vmem>>, vector<16xi32>,
    %get3A_484 = vector.shape_cast %get3A_483 : vector<16xi32> to vector<16xi32>
    %sub3A_485 = arith.constant 1000000 : i32
    %sub3A_486 = vector.broadcast %sub3A_485 : i32 to vector<16xi32>
    %sub3A_487 = arith.subi %get3A_484, %sub3A_486 : vector<16xi32>
    %shift_right_arithmetic3A_488 = arith.constant 1 : i32
    %shift_right_arithmetic3A_489 = vector.broadcast %shift_right_arithmetic3A_488 : i32 to vector<16xi32>
    %shift_right_arithmetic3A_490 = arith.shrsi %sub3A_487, %shift_right_arithmetic3A_489 : vector<16xi32>
    %swap3A_491 = arith.constant 336 : index
    %swap3A_492 = tpu.vector_load %arg8[%swap3A_491] {strides = array<i32>} : memref<512xi32, #tpu.memory_space<vmem>>, vector<16xi32>,
    %swap3A_493 = vector.shape_cast %swap3A_492 : vector<16xi32> to vector<16xi32>
    %swap3A_494 = vector.shape_cast %shift_right_arithmetic3A_490 : vector<16xi32> to vector<16xi32>
    tpu.vector_store %arg8[%swap3A_491], %swap3A_494 {strides = array<i32>} : memref<512xi32, #tpu.memory_space<vmem>>, vector<16xi32>,
    %get3A_495 = arith.constant 336 : index
    %get3A_496 = tpu.vector_load %arg9[%get3A_495] {strides = array<i32>} : memref<512xi32, #tpu.memory_space<vmem>>, vector<16xi32>,
    %get3A_497 = vector.shape_cast %get3A_496 : vector<16xi32> to vector<16xi32>
    %shift_right_arithmetic3A_498 = arith.constant 1 : i32
    %shift_right_arithmetic3A_499 = vector.broadcast %shift_right_arithmetic3A_498 : i32 to vector<16xi32>
    %shift_right_arithmetic3A_500 = arith.shrsi %get3A_497, %shift_right_arithmetic3A_499 : vector<16xi32>
    %swap3A_501 = arith.constant 336 : index
    %swap3A_502 = tpu.vector_load %arg9[%swap3A_501] {strides = array<i32>} : memref<512xi32, #tpu.memory_space<vmem>>, vector<16xi32>,
    %swap3A_503 = vector.shape_cast %swap3A_502 : vector<16xi32> to vector<16xi32>
    %swap3A_504 = vector.shape_cast %shift_right_arithmetic3A_500 : vector<16xi32> to vector<16xi32>
    tpu.vector_store %arg9[%swap3A_501], %swap3A_504 {strides = array<i32>} : memref<512xi32, #tpu.memory_space<vmem>>, vector<16xi32>,
    %get3A_505 = arith.constant 352 : index
    %get3A_506 = tpu.vector_load %arg8[%get3A_505] {strides = array<i32>} : memref<512xi32, #tpu.memory_space<vmem>>, vector<16xi32>,
    %get3A_507 = vector.shape_cast %get3A_506 : vector<16xi32> to vector<16xi32>
    %sub3A_508 = arith.constant 1000000 : i32
    %sub3A_509 = vector.broadcast %sub3A_508 : i32 to vector<16xi32>
    %sub3A_510 = arith.subi %get3A_507, %sub3A_509 : vector<16xi32>
    %shift_right_arithmetic3A_511 = arith.constant 1 : i32
    %shift_right_arithmetic3A_512 = vector.broadcast %shift_right_arithmetic3A_511 : i32 to vector<16xi32>
    %shift_right_arithmetic3A_513 = arith.shrsi %sub3A_510, %shift_right_arithmetic3A_512 : vector<16xi32>
    %swap3A_514 = arith.constant 352 : index
    %swap3A_515 = tpu.vector_load %arg8[%swap3A_514] {strides = array<i32>} : memref<512xi32, #tpu.memory_space<vmem>>, vector<16xi32>,
    %swap3A_516 = vector.shape_cast %swap3A_515 : vector<16xi32> to vector<16xi32>
    %swap3A_517 = vector.shape_cast %shift_right_arithmetic3A_513 : vector<16xi32> to vector<16xi32>
    tpu.vector_store %arg8[%swap3A_514], %swap3A_517 {strides = array<i32>} : memref<512xi32, #tpu.memory_space<vmem>>, vector<16xi32>,
    %get3A_518 = arith.constant 352 : index
    %get3A_519 = tpu.vector_load %arg9[%get3A_518] {strides = array<i32>} : memref<512xi32, #tpu.memory_space<vmem>>, vector<16xi32>,
    %get3A_520 = vector.shape_cast %get3A_519 : vector<16xi32> to vector<16xi32>
    %shift_right_arithmetic3A_521 = arith.constant 1 : i32
    %shift_right_arithmetic3A_522 = vector.broadcast %shift_right_arithmetic3A_521 : i32 to vector<16xi32>
    %shift_right_arithmetic3A_523 = arith.shrsi %get3A_520, %shift_right_arithmetic3A_522 : vector<16xi32>
    %swap3A_524 = arith.constant 352 : index
    %swap3A_525 = tpu.vector_load %arg9[%swap3A_524] {strides = array<i32>} : memref<512xi32, #tpu.memory_space<vmem>>, vector<16xi32>,
    %swap3A_526 = vector.shape_cast %swap3A_525 : vector<16xi32> to vector<16xi32>
    %swap3A_527 = vector.shape_cast %shift_right_arithmetic3A_523 : vector<16xi32> to vector<16xi32>
    tpu.vector_store %arg9[%swap3A_524], %swap3A_527 {strides = array<i32>} : memref<512xi32, #tpu.memory_space<vmem>>, vector<16xi32>,
    %get3A_528 = arith.constant 368 : index
    %get3A_529 = tpu.vector_load %arg8[%get3A_528] {strides = array<i32>} : memref<512xi32, #tpu.memory_space<vmem>>, vector<16xi32>,
    %get3A_530 = vector.shape_cast %get3A_529 : vector<16xi32> to vector<16xi32>
    %sub3A_531 = arith.constant 1000000 : i32
    %sub3A_532 = vector.broadcast %sub3A_531 : i32 to vector<16xi32>
    %sub3A_533 = arith.subi %get3A_530, %sub3A_532 : vector<16xi32>
    %shift_right_arithmetic3A_534 = arith.constant 1 : i32
    %shift_right_arithmetic3A_535 = vector.broadcast %shift_right_arithmetic3A_534 : i32 to vector<16xi32>
    %shift_right_arithmetic3A_536 = arith.shrsi %sub3A_533, %shift_right_arithmetic3A_535 : vector<16xi32>
    %swap3A_537 = arith.constant 368 : index
    %swap3A_538 = tpu.vector_load %arg8[%swap3A_537] {strides = array<i32>} : memref<512xi32, #tpu.memory_space<vmem>>, vector<16xi32>,
    %swap3A_539 = vector.shape_cast %swap3A_538 : vector<16xi32> to vector<16xi32>
    %swap3A_540 = vector.shape_cast %shift_right_arithmetic3A_536 : vector<16xi32> to vector<16xi32>
    tpu.vector_store %arg8[%swap3A_537], %swap3A_540 {strides = array<i32>} : memref<512xi32, #tpu.memory_space<vmem>>, vector<16xi32>,
    %get3A_541 = arith.constant 368 : index
    %get3A_542 = tpu.vector_load %arg9[%get3A_541] {strides = array<i32>} : memref<512xi32, #tpu.memory_space<vmem>>, vector<16xi32>,
    %get3A_543 = vector.shape_cast %get3A_542 : vector<16xi32> to vector<16xi32>
    %shift_right_arithmetic3A_544 = arith.constant 1 : i32
    %shift_right_arithmetic3A_545 = vector.broadcast %shift_right_arithmetic3A_544 : i32 to vector<16xi32>
    %shift_right_arithmetic3A_546 = arith.shrsi %get3A_543, %shift_right_arithmetic3A_545 : vector<16xi32>
    %swap3A_547 = arith.constant 368 : index
    %swap3A_548 = tpu.vector_load %arg9[%swap3A_547] {strides = array<i32>} : memref<512xi32, #tpu.memory_space<vmem>>, vector<16xi32>,
    %swap3A_549 = vector.shape_cast %swap3A_548 : vector<16xi32> to vector<16xi32>
    %swap3A_550 = vector.shape_cast %shift_right_arithmetic3A_546 : vector<16xi32> to vector<16xi32>
    tpu.vector_store %arg9[%swap3A_547], %swap3A_550 {strides = array<i32>} : memref<512xi32, #tpu.memory_space<vmem>>, vector<16xi32>,
    %get3A_551 = arith.constant 384 : index
    %get3A_552 = tpu.vector_load %arg8[%get3A_551] {strides = array<i32>} : memref<512xi32, #tpu.memory_space<vmem>>, vector<16xi32>,
    %get3A_553 = vector.shape_cast %get3A_552 : vector<16xi32> to vector<16xi32>
    %sub3A_554 = arith.constant 1000000 : i32
    %sub3A_555 = vector.broadcast %sub3A_554 : i32 to vector<16xi32>
    %sub3A_556 = arith.subi %get3A_553, %sub3A_555 : vector<16xi32>
    %shift_right_arithmetic3A_557 = arith.constant 1 : i32
    %shift_right_arithmetic3A_558 = vector.broadcast %shift_right_arithmetic3A_557 : i32 to vector<16xi32>
    %shift_right_arithmetic3A_559 = arith.shrsi %sub3A_556, %shift_right_arithmetic3A_558 : vector<16xi32>
    %swap3A_560 = arith.constant 384 : index
    %swap3A_561 = tpu.vector_load %arg8[%swap3A_560] {strides = array<i32>} : memref<512xi32, #tpu.memory_space<vmem>>, vector<16xi32>,
    %swap3A_562 = vector.shape_cast %swap3A_561 : vector<16xi32> to vector<16xi32>
    %swap3A_563 = vector.shape_cast %shift_right_arithmetic3A_559 : vector<16xi32> to vector<16xi32>
    tpu.vector_store %arg8[%swap3A_560], %swap3A_563 {strides = array<i32>} : memref<512xi32, #tpu.memory_space<vmem>>, vector<16xi32>,
    %get3A_564 = arith.constant 384 : index
    %get3A_565 = tpu.vector_load %arg9[%get3A_564] {strides = array<i32>} : memref<512xi32, #tpu.memory_space<vmem>>, vector<16xi32>,
    %get3A_566 = vector.shape_cast %get3A_565 : vector<16xi32> to vector<16xi32>
    %shift_right_arithmetic3A_567 = arith.constant 1 : i32
    %shift_right_arithmetic3A_568 = vector.broadcast %shift_right_arithmetic3A_567 : i32 to vector<16xi32>
    %shift_right_arithmetic3A_569 = arith.shrsi %get3A_566, %shift_right_arithmetic3A_568 : vector<16xi32>
    %swap3A_570 = arith.constant 384 : index
    %swap3A_571 = tpu.vector_load %arg9[%swap3A_570] {strides = array<i32>} : memref<512xi32, #tpu.memory_space<vmem>>, vector<16xi32>,
    %swap3A_572 = vector.shape_cast %swap3A_571 : vector<16xi32> to vector<16xi32>
    %swap3A_573 = vector.shape_cast %shift_right_arithmetic3A_569 : vector<16xi32> to vector<16xi32>
    tpu.vector_store %arg9[%swap3A_570], %swap3A_573 {strides = array<i32>} : memref<512xi32, #tpu.memory_space<vmem>>, vector<16xi32>,
    %get3A_574 = arith.constant 400 : index
    %get3A_575 = tpu.vector_load %arg8[%get3A_574] {strides = array<i32>} : memref<512xi32, #tpu.memory_space<vmem>>, vector<16xi32>,
    %get3A_576 = vector.shape_cast %get3A_575 : vector<16xi32> to vector<16xi32>
    %sub3A_577 = arith.constant 1000000 : i32
    %sub3A_578 = vector.broadcast %sub3A_577 : i32 to vector<16xi32>
    %sub3A_579 = arith.subi %get3A_576, %sub3A_578 : vector<16xi32>
    %shift_right_arithmetic3A_580 = arith.constant 1 : i32
    %shift_right_arithmetic3A_581 = vector.broadcast %shift_right_arithmetic3A_580 : i32 to vector<16xi32>
    %shift_right_arithmetic3A_582 = arith.shrsi %sub3A_579, %shift_right_arithmetic3A_581 : vector<16xi32>
    %swap3A_583 = arith.constant 400 : index
    %swap3A_584 = tpu.vector_load %arg8[%swap3A_583] {strides = array<i32>} : memref<512xi32, #tpu.memory_space<vmem>>, vector<16xi32>,
    %swap3A_585 = vector.shape_cast %swap3A_584 : vector<16xi32> to vector<16xi32>
    %swap3A_586 = vector.shape_cast %shift_right_arithmetic3A_582 : vector<16xi32> to vector<16xi32>
    tpu.vector_store %arg8[%swap3A_583], %swap3A_586 {strides = array<i32>} : memref<512xi32, #tpu.memory_space<vmem>>, vector<16xi32>,
    %get3A_587 = arith.constant 400 : index
    %get3A_588 = tpu.vector_load %arg9[%get3A_587] {strides = array<i32>} : memref<512xi32, #tpu.memory_space<vmem>>, vector<16xi32>,
    %get3A_589 = vector.shape_cast %get3A_588 : vector<16xi32> to vector<16xi32>
    %shift_right_arithmetic3A_590 = arith.constant 1 : i32
    %shift_right_arithmetic3A_591 = vector.broadcast %shift_right_arithmetic3A_590 : i32 to vector<16xi32>
    %shift_right_arithmetic3A_592 = arith.shrsi %get3A_589, %shift_right_arithmetic3A_591 : vector<16xi32>
    %swap3A_593 = arith.constant 400 : index
    %swap3A_594 = tpu.vector_load %arg9[%swap3A_593] {strides = array<i32>} : memref<512xi32, #tpu.memory_space<vmem>>, vector<16xi32>,
    %swap3A_595 = vector.shape_cast %swap3A_594 : vector<16xi32> to vector<16xi32>
    %swap3A_596 = vector.shape_cast %shift_right_arithmetic3A_592 : vector<16xi32> to vector<16xi32>
    tpu.vector_store %arg9[%swap3A_593], %swap3A_596 {strides = array<i32>} : memref<512xi32, #tpu.memory_space<vmem>>, vector<16xi32>,
    %get3A_597 = arith.constant 416 : index
    %get3A_598 = tpu.vector_load %arg8[%get3A_597] {strides = array<i32>} : memref<512xi32, #tpu.memory_space<vmem>>, vector<16xi32>,
    %get3A_599 = vector.shape_cast %get3A_598 : vector<16xi32> to vector<16xi32>
    %sub3A_600 = arith.constant 1000000 : i32
    %sub3A_601 = vector.broadcast %sub3A_600 : i32 to vector<16xi32>
    %sub3A_602 = arith.subi %get3A_599, %sub3A_601 : vector<16xi32>
    %shift_right_arithmetic3A_603 = arith.constant 1 : i32
    %shift_right_arithmetic3A_604 = vector.broadcast %shift_right_arithmetic3A_603 : i32 to vector<16xi32>
    %shift_right_arithmetic3A_605 = arith.shrsi %sub3A_602, %shift_right_arithmetic3A_604 : vector<16xi32>
    %swap3A_606 = arith.constant 416 : index
    %swap3A_607 = tpu.vector_load %arg8[%swap3A_606] {strides = array<i32>} : memref<512xi32, #tpu.memory_space<vmem>>, vector<16xi32>,
    %swap3A_608 = vector.shape_cast %swap3A_607 : vector<16xi32> to vector<16xi32>
    %swap3A_609 = vector.shape_cast %shift_right_arithmetic3A_605 : vector<16xi32> to vector<16xi32>
    tpu.vector_store %arg8[%swap3A_606], %swap3A_609 {strides = array<i32>} : memref<512xi32, #tpu.memory_space<vmem>>, vector<16xi32>,
    %get3A_610 = arith.constant 416 : index
    %get3A_611 = tpu.vector_load %arg9[%get3A_610] {strides = array<i32>} : memref<512xi32, #tpu.memory_space<vmem>>, vector<16xi32>,
    %get3A_612 = vector.shape_cast %get3A_611 : vector<16xi32> to vector<16xi32>
    %shift_right_arithmetic3A_613 = arith.constant 1 : i32
    %shift_right_arithmetic3A_614 = vector.broadcast %shift_right_arithmetic3A_613 : i32 to vector<16xi32>
    %shift_right_arithmetic3A_615 = arith.shrsi %get3A_612, %shift_right_arithmetic3A_614 : vector<16xi32>
    %swap3A_616 = arith.constant 416 : index
    %swap3A_617 = tpu.vector_load %arg9[%swap3A_616] {strides = array<i32>} : memref<512xi32, #tpu.memory_space<vmem>>, vector<16xi32>,
    %swap3A_618 = vector.shape_cast %swap3A_617 : vector<16xi32> to vector<16xi32>
    %swap3A_619 = vector.shape_cast %shift_right_arithmetic3A_615 : vector<16xi32> to vector<16xi32>
    tpu.vector_store %arg9[%swap3A_616], %swap3A_619 {strides = array<i32>} : memref<512xi32, #tpu.memory_space<vmem>>, vector<16xi32>,
    %get3A_620 = arith.constant 432 : index
    %get3A_621 = tpu.vector_load %arg8[%get3A_620] {strides = array<i32>} : memref<512xi32, #tpu.memory_space<vmem>>, vector<16xi32>,
    %get3A_622 = vector.shape_cast %get3A_621 : vector<16xi32> to vector<16xi32>
    %sub3A_623 = arith.constant 1000000 : i32
    %sub3A_624 = vector.broadcast %sub3A_623 : i32 to vector<16xi32>
    %sub3A_625 = arith.subi %get3A_622, %sub3A_624 : vector<16xi32>
    %shift_right_arithmetic3A_626 = arith.constant 1 : i32
    %shift_right_arithmetic3A_627 = vector.broadcast %shift_right_arithmetic3A_626 : i32 to vector<16xi32>
    %shift_right_arithmetic3A_628 = arith.shrsi %sub3A_625, %shift_right_arithmetic3A_627 : vector<16xi32>
    %swap3A_629 = arith.constant 432 : index
    %swap3A_630 = tpu.vector_load %arg8[%swap3A_629] {strides = array<i32>} : memref<512xi32, #tpu.memory_space<vmem>>, vector<16xi32>,
    %swap3A_631 = vector.shape_cast %swap3A_630 : vector<16xi32> to vector<16xi32>
    %swap3A_632 = vector.shape_cast %shift_right_arithmetic3A_628 : vector<16xi32> to vector<16xi32>
    tpu.vector_store %arg8[%swap3A_629], %swap3A_632 {strides = array<i32>} : memref<512xi32, #tpu.memory_space<vmem>>, vector<16xi32>,
    %get3A_633 = arith.constant 432 : index
    %get3A_634 = tpu.vector_load %arg9[%get3A_633] {strides = array<i32>} : memref<512xi32, #tpu.memory_space<vmem>>, vector<16xi32>,
    %get3A_635 = vector.shape_cast %get3A_634 : vector<16xi32> to vector<16xi32>
    %shift_right_arithmetic3A_636 = arith.constant 1 : i32
    %shift_right_arithmetic3A_637 = vector.broadcast %shift_right_arithmetic3A_636 : i32 to vector<16xi32>
    %shift_right_arithmetic3A_638 = arith.shrsi %get3A_635, %shift_right_arithmetic3A_637 : vector<16xi32>
    %swap3A_639 = arith.constant 432 : index
    %swap3A_640 = tpu.vector_load %arg9[%swap3A_639] {strides = array<i32>} : memref<512xi32, #tpu.memory_space<vmem>>, vector<16xi32>,
    %swap3A_641 = vector.shape_cast %swap3A_640 : vector<16xi32> to vector<16xi32>
    %swap3A_642 = vector.shape_cast %shift_right_arithmetic3A_638 : vector<16xi32> to vector<16xi32>
    tpu.vector_store %arg9[%swap3A_639], %swap3A_642 {strides = array<i32>} : memref<512xi32, #tpu.memory_space<vmem>>, vector<16xi32>,
    %get3A_643 = arith.constant 448 : index
    %get3A_644 = tpu.vector_load %arg8[%get3A_643] {strides = array<i32>} : memref<512xi32, #tpu.memory_space<vmem>>, vector<16xi32>,
    %get3A_645 = vector.shape_cast %get3A_644 : vector<16xi32> to vector<16xi32>
    %sub3A_646 = arith.constant 1000000 : i32
    %sub3A_647 = vector.broadcast %sub3A_646 : i32 to vector<16xi32>
    %sub3A_648 = arith.subi %get3A_645, %sub3A_647 : vector<16xi32>
    %shift_right_arithmetic3A_649 = arith.constant 1 : i32
    %shift_right_arithmetic3A_650 = vector.broadcast %shift_right_arithmetic3A_649 : i32 to vector<16xi32>
    %shift_right_arithmetic3A_651 = arith.shrsi %sub3A_648, %shift_right_arithmetic3A_650 : vector<16xi32>
    %swap3A_652 = arith.constant 448 : index
    %swap3A_653 = tpu.vector_load %arg8[%swap3A_652] {strides = array<i32>} : memref<512xi32, #tpu.memory_space<vmem>>, vector<16xi32>,
    %swap3A_654 = vector.shape_cast %swap3A_653 : vector<16xi32> to vector<16xi32>
    %swap3A_655 = vector.shape_cast %shift_right_arithmetic3A_651 : vector<16xi32> to vector<16xi32>
    tpu.vector_store %arg8[%swap3A_652], %swap3A_655 {strides = array<i32>} : memref<512xi32, #tpu.memory_space<vmem>>, vector<16xi32>,
    %get3A_656 = arith.constant 448 : index
    %get3A_657 = tpu.vector_load %arg9[%get3A_656] {strides = array<i32>} : memref<512xi32, #tpu.memory_space<vmem>>, vector<16xi32>,
    %get3A_658 = vector.shape_cast %get3A_657 : vector<16xi32> to vector<16xi32>
    %shift_right_arithmetic3A_659 = arith.constant 1 : i32
    %shift_right_arithmetic3A_660 = vector.broadcast %shift_right_arithmetic3A_659 : i32 to vector<16xi32>
    %shift_right_arithmetic3A_661 = arith.shrsi %get3A_658, %shift_right_arithmetic3A_660 : vector<16xi32>
    %swap3A_662 = arith.constant 448 : index
    %swap3A_663 = tpu.vector_load %arg9[%swap3A_662] {strides = array<i32>} : memref<512xi32, #tpu.memory_space<vmem>>, vector<16xi32>,
    %swap3A_664 = vector.shape_cast %swap3A_663 : vector<16xi32> to vector<16xi32>
    %swap3A_665 = vector.shape_cast %shift_right_arithmetic3A_661 : vector<16xi32> to vector<16xi32>
    tpu.vector_store %arg9[%swap3A_662], %swap3A_665 {strides = array<i32>} : memref<512xi32, #tpu.memory_space<vmem>>, vector<16xi32>,
    %get3A_666 = arith.constant 464 : index
    %get3A_667 = tpu.vector_load %arg8[%get3A_666] {strides = array<i32>} : memref<512xi32, #tpu.memory_space<vmem>>, vector<16xi32>,
    %get3A_668 = vector.shape_cast %get3A_667 : vector<16xi32> to vector<16xi32>
    %sub3A_669 = arith.constant 1000000 : i32
    %sub3A_670 = vector.broadcast %sub3A_669 : i32 to vector<16xi32>
    %sub3A_671 = arith.subi %get3A_668, %sub3A_670 : vector<16xi32>
    %shift_right_arithmetic3A_672 = arith.constant 1 : i32
    %shift_right_arithmetic3A_673 = vector.broadcast %shift_right_arithmetic3A_672 : i32 to vector<16xi32>
    %shift_right_arithmetic3A_674 = arith.shrsi %sub3A_671, %shift_right_arithmetic3A_673 : vector<16xi32>
    %swap3A_675 = arith.constant 464 : index
    %swap3A_676 = tpu.vector_load %arg8[%swap3A_675] {strides = array<i32>} : memref<512xi32, #tpu.memory_space<vmem>>, vector<16xi32>,
    %swap3A_677 = vector.shape_cast %swap3A_676 : vector<16xi32> to vector<16xi32>
    %swap3A_678 = vector.shape_cast %shift_right_arithmetic3A_674 : vector<16xi32> to vector<16xi32>
    tpu.vector_store %arg8[%swap3A_675], %swap3A_678 {strides = array<i32>} : memref<512xi32, #tpu.memory_space<vmem>>, vector<16xi32>,
    %get3A_679 = arith.constant 464 : index
    %get3A_680 = tpu.vector_load %arg9[%get3A_679] {strides = array<i32>} : memref<512xi32, #tpu.memory_space<vmem>>, vector<16xi32>,
    %get3A_681 = vector.shape_cast %get3A_680 : vector<16xi32> to vector<16xi32>
    %shift_right_arithmetic3A_682 = arith.constant 1 : i32
    %shift_right_arithmetic3A_683 = vector.broadcast %shift_right_arithmetic3A_682 : i32 to vector<16xi32>
    %shift_right_arithmetic3A_684 = arith.shrsi %get3A_681, %shift_right_arithmetic3A_683 : vector<16xi32>
    %swap3A_685 = arith.constant 464 : index
    %swap3A_686 = tpu.vector_load %arg9[%swap3A_685] {strides = array<i32>} : memref<512xi32, #tpu.memory_space<vmem>>, vector<16xi32>,
    %swap3A_687 = vector.shape_cast %swap3A_686 : vector<16xi32> to vector<16xi32>
    %swap3A_688 = vector.shape_cast %shift_right_arithmetic3A_684 : vector<16xi32> to vector<16xi32>
    tpu.vector_store %arg9[%swap3A_685], %swap3A_688 {strides = array<i32>} : memref<512xi32, #tpu.memory_space<vmem>>, vector<16xi32>,
    %get3A_689 = arith.constant 480 : index
    %get3A_690 = tpu.vector_load %arg8[%get3A_689] {strides = array<i32>} : memref<512xi32, #tpu.memory_space<vmem>>, vector<16xi32>,
    %get3A_691 = vector.shape_cast %get3A_690 : vector<16xi32> to vector<16xi32>
    %sub3A_692 = arith.constant 1000000 : i32
    %sub3A_693 = vector.broadcast %sub3A_692 : i32 to vector<16xi32>
    %sub3A_694 = arith.subi %get3A_691, %sub3A_693 : vector<16xi32>
    %shift_right_arithmetic3A_695 = arith.constant 1 : i32
    %shift_right_arithmetic3A_696 = vector.broadcast %shift_right_arithmetic3A_695 : i32 to vector<16xi32>
    %shift_right_arithmetic3A_697 = arith.shrsi %sub3A_694, %shift_right_arithmetic3A_696 : vector<16xi32>
    %swap3A_698 = arith.constant 480 : index
    %swap3A_699 = tpu.vector_load %arg8[%swap3A_698] {strides = array<i32>} : memref<512xi32, #tpu.memory_space<vmem>>, vector<16xi32>,
    %swap3A_700 = vector.shape_cast %swap3A_699 : vector<16xi32> to vector<16xi32>
    %swap3A_701 = vector.shape_cast %shift_right_arithmetic3A_697 : vector<16xi32> to vector<16xi32>
    tpu.vector_store %arg8[%swap3A_698], %swap3A_701 {strides = array<i32>} : memref<512xi32, #tpu.memory_space<vmem>>, vector<16xi32>,
    %get3A_702 = arith.constant 480 : index
    %get3A_703 = tpu.vector_load %arg9[%get3A_702] {strides = array<i32>} : memref<512xi32, #tpu.memory_space<vmem>>, vector<16xi32>,
    %get3A_704 = vector.shape_cast %get3A_703 : vector<16xi32> to vector<16xi32>
    %shift_right_arithmetic3A_705 = arith.constant 1 : i32
    %shift_right_arithmetic3A_706 = vector.broadcast %shift_right_arithmetic3A_705 : i32 to vector<16xi32>
    %shift_right_arithmetic3A_707 = arith.shrsi %get3A_704, %shift_right_arithmetic3A_706 : vector<16xi32>
    %swap3A_708 = arith.constant 480 : index
    %swap3A_709 = tpu.vector_load %arg9[%swap3A_708] {strides = array<i32>} : memref<512xi32, #tpu.memory_space<vmem>>, vector<16xi32>,
    %swap3A_710 = vector.shape_cast %swap3A_709 : vector<16xi32> to vector<16xi32>
    %swap3A_711 = vector.shape_cast %shift_right_arithmetic3A_707 : vector<16xi32> to vector<16xi32>
    tpu.vector_store %arg9[%swap3A_708], %swap3A_711 {strides = array<i32>} : memref<512xi32, #tpu.memory_space<vmem>>, vector<16xi32>,
    %get3A_712 = arith.constant 496 : index
    %get3A_713 = tpu.vector_load %arg8[%get3A_712] {strides = array<i32>} : memref<512xi32, #tpu.memory_space<vmem>>, vector<16xi32>,
    %get3A_714 = vector.shape_cast %get3A_713 : vector<16xi32> to vector<16xi32>
    %sub3A_715 = arith.constant 1000000 : i32
    %sub3A_716 = vector.broadcast %sub3A_715 : i32 to vector<16xi32>
    %sub3A_717 = arith.subi %get3A_714, %sub3A_716 : vector<16xi32>
    %shift_right_arithmetic3A_718 = arith.constant 1 : i32
    %shift_right_arithmetic3A_719 = vector.broadcast %shift_right_arithmetic3A_718 : i32 to vector<16xi32>
    %shift_right_arithmetic3A_720 = arith.shrsi %sub3A_717, %shift_right_arithmetic3A_719 : vector<16xi32>
    %swap3A_721 = arith.constant 496 : index
    %swap3A_722 = tpu.vector_load %arg8[%swap3A_721] {strides = array<i32>} : memref<512xi32, #tpu.memory_space<vmem>>, vector<16xi32>,
    %swap3A_723 = vector.shape_cast %swap3A_722 : vector<16xi32> to vector<16xi32>
    %swap3A_724 = vector.shape_cast %shift_right_arithmetic3A_720 : vector<16xi32> to vector<16xi32>
    tpu.vector_store %arg8[%swap3A_721], %swap3A_724 {strides = array<i32>} : memref<512xi32, #tpu.memory_space<vmem>>, vector<16xi32>,
    %get3A_725 = arith.constant 496 : index
    %get3A_726 = tpu.vector_load %arg9[%get3A_725] {strides = array<i32>} : memref<512xi32, #tpu.memory_space<vmem>>, vector<16xi32>,
    %get3A_727 = vector.shape_cast %get3A_726 : vector<16xi32> to vector<16xi32>
    %shift_right_arithmetic3A_728 = arith.constant 1 : i32
    %shift_right_arithmetic3A_729 = vector.broadcast %shift_right_arithmetic3A_728 : i32 to vector<16xi32>
    %shift_right_arithmetic3A_730 = arith.shrsi %get3A_727, %shift_right_arithmetic3A_729 : vector<16xi32>
    %swap3A_731 = arith.constant 496 : index
    %swap3A_732 = tpu.vector_load %arg9[%swap3A_731] {strides = array<i32>} : memref<512xi32, #tpu.memory_space<vmem>>, vector<16xi32>,
    %swap3A_733 = vector.shape_cast %swap3A_732 : vector<16xi32> to vector<16xi32>
    %swap3A_734 = vector.shape_cast %shift_right_arithmetic3A_730 : vector<16xi32> to vector<16xi32>
    tpu.vector_store %arg9[%swap3A_731], %swap3A_734 {strides = array<i32>} : memref<512xi32, #tpu.memory_space<vmem>>, vector<16xi32>,
    %dma_start3A = arith.constant 0 : i32
    %dma_start3A_735 = arith.constant 0 : i32
    %dma_start3A_736 = tpu.memref_slice %arg10[%dma_start3A, %dma_start3A_735] : memref<512x128xf32, #tpu.memory_space<vmem>> -> memref<128x128xf32, #tpu.memory_space<vmem>>
    %dma_start3A_737 = arith.constant 0 : i32
    %dma_start3A_738 = tpu.memref_slice %arg8[%dma_start3A_737] : memref<512xi32, #tpu.memory_space<vmem>> -> memref<128xi32, #tpu.memory_space<vmem>>
    %dma_start3A_739 = arith.constant 0 : i32
    %dma_start3A_740 = arith.constant 0 : i32
    %dma_start3A_741 = tpu.memref_slice %arg2[%dma_start3A_739, %dma_start3A_740] : memref<500000x128xf32, #tpu.memory_space<hbm>> -> memref<500000x128xf32, #tpu.memory_space<hbm>>
    tpu.enqueue_indirect_dma source(%dma_start3A_741 : memref<500000x128xf32, #tpu.memory_space<hbm>>) target(%dma_start3A_736 : memref<128x128xf32, #tpu.memory_space<vmem>>) offsets(%dma_start3A_738 : memref<128xi32, #tpu.memory_space<vmem>>) semaphore(%arg11 : memref<!tpu.dma_semaphore, #tpu.memory_space<semaphore_mem>>)
    %dma_start3A_742 = arith.constant 128 : i32
    %dma_start3A_743 = arith.constant 0 : i32
    %dma_start3A_744 = tpu.memref_slice %arg10[%dma_start3A_742, %dma_start3A_743] : memref<512x128xf32, #tpu.memory_space<vmem>> -> memref<128x128xf32, #tpu.memory_space<vmem>>
    %dma_start3A_745 = arith.constant 128 : i32
    %dma_start3A_746 = tpu.memref_slice %arg8[%dma_start3A_745] : memref<512xi32, #tpu.memory_space<vmem>> -> memref<128xi32, #tpu.memory_space<vmem>>
    %dma_start3A_747 = arith.constant 0 : i32
    %dma_start3A_748 = arith.constant 0 : i32
    %dma_start3A_749 = tpu.memref_slice %arg2[%dma_start3A_747, %dma_start3A_748] : memref<500000x128xf32, #tpu.memory_space<hbm>> -> memref<500000x128xf32, #tpu.memory_space<hbm>>
    tpu.enqueue_indirect_dma source(%dma_start3A_749 : memref<500000x128xf32, #tpu.memory_space<hbm>>) target(%dma_start3A_744 : memref<128x128xf32, #tpu.memory_space<vmem>>) offsets(%dma_start3A_746 : memref<128xi32, #tpu.memory_space<vmem>>) semaphore(%arg11 : memref<!tpu.dma_semaphore, #tpu.memory_space<semaphore_mem>>)
    %dma_start3A_750 = arith.constant 256 : i32
    %dma_start3A_751 = arith.constant 0 : i32
    %dma_start3A_752 = tpu.memref_slice %arg10[%dma_start3A_750, %dma_start3A_751] : memref<512x128xf32, #tpu.memory_space<vmem>> -> memref<128x128xf32, #tpu.memory_space<vmem>>
    %dma_start3A_753 = arith.constant 256 : i32
    %dma_start3A_754 = tpu.memref_slice %arg8[%dma_start3A_753] : memref<512xi32, #tpu.memory_space<vmem>> -> memref<128xi32, #tpu.memory_space<vmem>>
    %dma_start3A_755 = arith.constant 0 : i32
    %dma_start3A_756 = arith.constant 0 : i32
    %dma_start3A_757 = tpu.memref_slice %arg2[%dma_start3A_755, %dma_start3A_756] : memref<500000x128xf32, #tpu.memory_space<hbm>> -> memref<500000x128xf32, #tpu.memory_space<hbm>>
    tpu.enqueue_indirect_dma source(%dma_start3A_757 : memref<500000x128xf32, #tpu.memory_space<hbm>>) target(%dma_start3A_752 : memref<128x128xf32, #tpu.memory_space<vmem>>) offsets(%dma_start3A_754 : memref<128xi32, #tpu.memory_space<vmem>>) semaphore(%arg11 : memref<!tpu.dma_semaphore, #tpu.memory_space<semaphore_mem>>)
    %dma_start3A_758 = arith.constant 384 : i32
    %dma_start3A_759 = arith.constant 0 : i32
    %dma_start3A_760 = tpu.memref_slice %arg10[%dma_start3A_758, %dma_start3A_759] : memref<512x128xf32, #tpu.memory_space<vmem>> -> memref<128x128xf32, #tpu.memory_space<vmem>>
    %dma_start3A_761 = arith.constant 384 : i32
    %dma_start3A_762 = tpu.memref_slice %arg8[%dma_start3A_761] : memref<512xi32, #tpu.memory_space<vmem>> -> memref<128xi32, #tpu.memory_space<vmem>>
    %dma_start3A_763 = arith.constant 0 : i32
    %dma_start3A_764 = arith.constant 0 : i32
    %dma_start3A_765 = tpu.memref_slice %arg2[%dma_start3A_763, %dma_start3A_764] : memref<500000x128xf32, #tpu.memory_space<hbm>> -> memref<500000x128xf32, #tpu.memory_space<hbm>>
    tpu.enqueue_indirect_dma source(%dma_start3A_765 : memref<500000x128xf32, #tpu.memory_space<hbm>>) target(%dma_start3A_760 : memref<128x128xf32, #tpu.memory_space<vmem>>) offsets(%dma_start3A_762 : memref<128xi32, #tpu.memory_space<vmem>>) semaphore(%arg11 : memref<!tpu.dma_semaphore, #tpu.memory_space<semaphore_mem>>)
    %dma_wait3A = arith.constant 0 : i32
    %dma_wait3A_766 = arith.constant 0 : i32
    %dma_wait3A_767 = tpu.memref_slice %arg10[%dma_wait3A, %dma_wait3A_766] : memref<512x128xf32, #tpu.memory_space<vmem>> -> memref<128x128xf32, #tpu.memory_space<vmem>>
    %dma_wait3A_768 = arith.constant 0 : i32
    %dma_wait3A_769 = tpu.memref_slice %arg8[%dma_wait3A_768] : memref<512xi32, #tpu.memory_space<vmem>> -> memref<128xi32, #tpu.memory_space<vmem>>
    %dma_wait3A_770 = arith.constant 0 : i32
    %dma_wait3A_771 = arith.constant 0 : i32
    %dma_wait3A_772 = tpu.memref_slice %arg2[%dma_wait3A_770, %dma_wait3A_771] : memref<500000x128xf32, #tpu.memory_space<hbm>> -> memref<500000x128xf32, #tpu.memory_space<hbm>>
    tpu.wait_indirect_dma semaphore(%arg11 : memref<!tpu.dma_semaphore, #tpu.memory_space<semaphore_mem>>) src(%dma_wait3A_772 : memref<500000x128xf32, #tpu.memory_space<hbm>>) dst(%dma_wait3A_767 : memref<128x128xf32, #tpu.memory_space<vmem>>)
    %dma_wait3A_773 = arith.constant 128 : i32
    %dma_wait3A_774 = arith.constant 0 : i32
    %dma_wait3A_775 = tpu.memref_slice %arg10[%dma_wait3A_773, %dma_wait3A_774] : memref<512x128xf32, #tpu.memory_space<vmem>> -> memref<128x128xf32, #tpu.memory_space<vmem>>
    %dma_wait3A_776 = arith.constant 128 : i32
    %dma_wait3A_777 = tpu.memref_slice %arg8[%dma_wait3A_776] : memref<512xi32, #tpu.memory_space<vmem>> -> memref<128xi32, #tpu.memory_space<vmem>>
    %dma_wait3A_778 = arith.constant 0 : i32
    %dma_wait3A_779 = arith.constant 0 : i32
    %dma_wait3A_780 = tpu.memref_slice %arg2[%dma_wait3A_778, %dma_wait3A_779] : memref<500000x128xf32, #tpu.memory_space<hbm>> -> memref<500000x128xf32, #tpu.memory_space<hbm>>
    tpu.wait_indirect_dma semaphore(%arg11 : memref<!tpu.dma_semaphore, #tpu.memory_space<semaphore_mem>>) src(%dma_wait3A_780 : memref<500000x128xf32, #tpu.memory_space<hbm>>) dst(%dma_wait3A_775 : memref<128x128xf32, #tpu.memory_space<vmem>>)
    %dma_wait3A_781 = arith.constant 256 : i32
    %dma_wait3A_782 = arith.constant 0 : i32
    %dma_wait3A_783 = tpu.memref_slice %arg10[%dma_wait3A_781, %dma_wait3A_782] : memref<512x128xf32, #tpu.memory_space<vmem>> -> memref<128x128xf32, #tpu.memory_space<vmem>>
    %dma_wait3A_784 = arith.constant 256 : i32
    %dma_wait3A_785 = tpu.memref_slice %arg8[%dma_wait3A_784] : memref<512xi32, #tpu.memory_space<vmem>> -> memref<128xi32, #tpu.memory_space<vmem>>
    %dma_wait3A_786 = arith.constant 0 : i32
    %dma_wait3A_787 = arith.constant 0 : i32
    %dma_wait3A_788 = tpu.memref_slice %arg2[%dma_wait3A_786, %dma_wait3A_787] : memref<500000x128xf32, #tpu.memory_space<hbm>> -> memref<500000x128xf32, #tpu.memory_space<hbm>>
    tpu.wait_indirect_dma semaphore(%arg11 : memref<!tpu.dma_semaphore, #tpu.memory_space<semaphore_mem>>) src(%dma_wait3A_788 : memref<500000x128xf32, #tpu.memory_space<hbm>>) dst(%dma_wait3A_783 : memref<128x128xf32, #tpu.memory_space<vmem>>)
    %dma_wait3A_789 = arith.constant 384 : i32
    %dma_wait3A_790 = arith.constant 0 : i32
    %dma_wait3A_791 = tpu.memref_slice %arg10[%dma_wait3A_789, %dma_wait3A_790] : memref<512x128xf32, #tpu.memory_space<vmem>> -> memref<128x128xf32, #tpu.memory_space<vmem>>
    %dma_wait3A_792 = arith.constant 384 : i32
    %dma_wait3A_793 = tpu.memref_slice %arg8[%dma_wait3A_792] : memref<512xi32, #tpu.memory_space<vmem>> -> memref<128xi32, #tpu.memory_space<vmem>>
    %dma_wait3A_794 = arith.constant 0 : i32
    %dma_wait3A_795 = arith.constant 0 : i32
    %dma_wait3A_796 = tpu.memref_slice %arg2[%dma_wait3A_794, %dma_wait3A_795] : memref<500000x128xf32, #tpu.memory_space<hbm>> -> memref<500000x128xf32, #tpu.memory_space<hbm>>
    tpu.wait_indirect_dma semaphore(%arg11 : memref<!tpu.dma_semaphore, #tpu.memory_space<semaphore_mem>>) src(%dma_wait3A_796 : memref<500000x128xf32, #tpu.memory_space<hbm>>) dst(%dma_wait3A_791 : memref<128x128xf32, #tpu.memory_space<vmem>>)
    "tpu.region"() ({
      %run_scoped3A = tpu.sem_alloc : memref<!tpu.dma_semaphore, #tpu.memory_space<semaphore_mem>>
      %dma_start3A_861 = arith.constant 0 : i32
      %dma_start3A_862 = tpu.memref_slice %arg6[%mul3A_2, %dma_start3A_861] : memref<16384x128xf32, #tpu.memory_space<hbm>> -> memref<512x128xf32, #tpu.memory_space<hbm>>
      %dma_start3A_863 = arith.constant 0 : i32
      %dma_start3A_864 = tpu.memref_slice %arg6[%mul3A_2, %dma_start3A_863] : memref<16384x128xf32, #tpu.memory_space<hbm>> -> memref<512x128xf32, #tpu.memory_space<hbm>>
      tpu.enqueue_dma source(%arg10 : memref<512x128xf32, #tpu.memory_space<vmem>>) target(%dma_start3A_864 : memref<512x128xf32, #tpu.memory_space<hbm>>) target_semaphore(%run_scoped3A : memref<!tpu.dma_semaphore, #tpu.memory_space<semaphore_mem>>)
      %dma_wait3A_865 = arith.constant 0 : i32
      %dma_wait3A_866 = tpu.memref_slice %arg6[%mul3A_2, %dma_wait3A_865] : memref<16384x128xf32, #tpu.memory_space<hbm>> -> memref<512x128xf32, #tpu.memory_space<hbm>>
      %dma_wait3A_867 = arith.constant 0 : i32
      %dma_wait3A_868 = tpu.memref_slice %arg6[%mul3A_2, %dma_wait3A_867] : memref<16384x128xf32, #tpu.memory_space<hbm>> -> memref<512x128xf32, #tpu.memory_space<hbm>>
      tpu.wait_dma2 semaphore(%run_scoped3A : memref<!tpu.dma_semaphore, #tpu.memory_space<semaphore_mem>>) src(%arg10 : memref<512x128xf32, #tpu.memory_space<vmem>>) dst(%dma_wait3A_868 : memref<512x128xf32, #tpu.memory_space<hbm>>)
      tpu.yield
    }) : () -> ()
    %dma_start3A_797 = arith.constant 0 : i32
    %dma_start3A_798 = arith.constant 0 : i32
    %dma_start3A_799 = tpu.memref_slice %arg10[%dma_start3A_797, %dma_start3A_798] : memref<512x128xf32, #tpu.memory_space<vmem>> -> memref<128x128xf32, #tpu.memory_space<vmem>>
    %dma_start3A_800 = arith.constant 0 : i32
    %dma_start3A_801 = tpu.memref_slice %arg9[%dma_start3A_800] : memref<512xi32, #tpu.memory_space<vmem>> -> memref<128xi32, #tpu.memory_space<vmem>>
    %dma_start3A_802 = arith.constant 0 : i32
    %dma_start3A_803 = arith.constant 0 : i32
    %dma_start3A_804 = tpu.memref_slice %arg3[%dma_start3A_802, %dma_start3A_803] : memref<500x128xf32, #tpu.memory_space<hbm>> -> memref<500x128xf32, #tpu.memory_space<hbm>>
    tpu.enqueue_indirect_dma source(%dma_start3A_804 : memref<500x128xf32, #tpu.memory_space<hbm>>) target(%dma_start3A_799 : memref<128x128xf32, #tpu.memory_space<vmem>>) offsets(%dma_start3A_801 : memref<128xi32, #tpu.memory_space<vmem>>) semaphore(%arg11 : memref<!tpu.dma_semaphore, #tpu.memory_space<semaphore_mem>>)
    %dma_start3A_805 = arith.constant 128 : i32
    %dma_start3A_806 = arith.constant 0 : i32
    %dma_start3A_807 = tpu.memref_slice %arg10[%dma_start3A_805, %dma_start3A_806] : memref<512x128xf32, #tpu.memory_space<vmem>> -> memref<128x128xf32, #tpu.memory_space<vmem>>
    %dma_start3A_808 = arith.constant 128 : i32
    %dma_start3A_809 = tpu.memref_slice %arg9[%dma_start3A_808] : memref<512xi32, #tpu.memory_space<vmem>> -> memref<128xi32, #tpu.memory_space<vmem>>
    %dma_start3A_810 = arith.constant 0 : i32
    %dma_start3A_811 = arith.constant 0 : i32
    %dma_start3A_812 = tpu.memref_slice %arg3[%dma_start3A_810, %dma_start3A_811] : memref<500x128xf32, #tpu.memory_space<hbm>> -> memref<500x128xf32, #tpu.memory_space<hbm>>
    tpu.enqueue_indirect_dma source(%dma_start3A_812 : memref<500x128xf32, #tpu.memory_space<hbm>>) target(%dma_start3A_807 : memref<128x128xf32, #tpu.memory_space<vmem>>) offsets(%dma_start3A_809 : memref<128xi32, #tpu.memory_space<vmem>>) semaphore(%arg11 : memref<!tpu.dma_semaphore, #tpu.memory_space<semaphore_mem>>)
    %dma_start3A_813 = arith.constant 256 : i32
    %dma_start3A_814 = arith.constant 0 : i32
    %dma_start3A_815 = tpu.memref_slice %arg10[%dma_start3A_813, %dma_start3A_814] : memref<512x128xf32, #tpu.memory_space<vmem>> -> memref<128x128xf32, #tpu.memory_space<vmem>>
    %dma_start3A_816 = arith.constant 256 : i32
    %dma_start3A_817 = tpu.memref_slice %arg9[%dma_start3A_816] : memref<512xi32, #tpu.memory_space<vmem>> -> memref<128xi32, #tpu.memory_space<vmem>>
    %dma_start3A_818 = arith.constant 0 : i32
    %dma_start3A_819 = arith.constant 0 : i32
    %dma_start3A_820 = tpu.memref_slice %arg3[%dma_start3A_818, %dma_start3A_819] : memref<500x128xf32, #tpu.memory_space<hbm>> -> memref<500x128xf32, #tpu.memory_space<hbm>>
    tpu.enqueue_indirect_dma source(%dma_start3A_820 : memref<500x128xf32, #tpu.memory_space<hbm>>) target(%dma_start3A_815 : memref<128x128xf32, #tpu.memory_space<vmem>>) offsets(%dma_start3A_817 : memref<128xi32, #tpu.memory_space<vmem>>) semaphore(%arg11 : memref<!tpu.dma_semaphore, #tpu.memory_space<semaphore_mem>>)
    %dma_start3A_821 = arith.constant 384 : i32
    %dma_start3A_822 = arith.constant 0 : i32
    %dma_start3A_823 = tpu.memref_slice %arg10[%dma_start3A_821, %dma_start3A_822] : memref<512x128xf32, #tpu.memory_space<vmem>> -> memref<128x128xf32, #tpu.memory_space<vmem>>
    %dma_start3A_824 = arith.constant 384 : i32
    %dma_start3A_825 = tpu.memref_slice %arg9[%dma_start3A_824] : memref<512xi32, #tpu.memory_space<vmem>> -> memref<128xi32, #tpu.memory_space<vmem>>
    %dma_start3A_826 = arith.constant 0 : i32
    %dma_start3A_827 = arith.constant 0 : i32
    %dma_start3A_828 = tpu.memref_slice %arg3[%dma_start3A_826, %dma_start3A_827] : memref<500x128xf32, #tpu.memory_space<hbm>> -> memref<500x128xf32, #tpu.memory_space<hbm>>
    tpu.enqueue_indirect_dma source(%dma_start3A_828 : memref<500x128xf32, #tpu.memory_space<hbm>>) target(%dma_start3A_823 : memref<128x128xf32, #tpu.memory_space<vmem>>) offsets(%dma_start3A_825 : memref<128xi32, #tpu.memory_space<vmem>>) semaphore(%arg11 : memref<!tpu.dma_semaphore, #tpu.memory_space<semaphore_mem>>)
    %dma_wait3A_829 = arith.constant 0 : i32
    %dma_wait3A_830 = arith.constant 0 : i32
    %dma_wait3A_831 = tpu.memref_slice %arg10[%dma_wait3A_829, %dma_wait3A_830] : memref<512x128xf32, #tpu.memory_space<vmem>> -> memref<128x128xf32, #tpu.memory_space<vmem>>
    %dma_wait3A_832 = arith.constant 0 : i32
    %dma_wait3A_833 = tpu.memref_slice %arg9[%dma_wait3A_832] : memref<512xi32, #tpu.memory_space<vmem>> -> memref<128xi32, #tpu.memory_space<vmem>>
    %dma_wait3A_834 = arith.constant 0 : i32
    %dma_wait3A_835 = arith.constant 0 : i32
    %dma_wait3A_836 = tpu.memref_slice %arg3[%dma_wait3A_834, %dma_wait3A_835] : memref<500x128xf32, #tpu.memory_space<hbm>> -> memref<500x128xf32, #tpu.memory_space<hbm>>
    tpu.wait_indirect_dma semaphore(%arg11 : memref<!tpu.dma_semaphore, #tpu.memory_space<semaphore_mem>>) src(%dma_wait3A_836 : memref<500x128xf32, #tpu.memory_space<hbm>>) dst(%dma_wait3A_831 : memref<128x128xf32, #tpu.memory_space<vmem>>)
    %dma_wait3A_837 = arith.constant 128 : i32
    %dma_wait3A_838 = arith.constant 0 : i32
    %dma_wait3A_839 = tpu.memref_slice %arg10[%dma_wait3A_837, %dma_wait3A_838] : memref<512x128xf32, #tpu.memory_space<vmem>> -> memref<128x128xf32, #tpu.memory_space<vmem>>
    %dma_wait3A_840 = arith.constant 128 : i32
    %dma_wait3A_841 = tpu.memref_slice %arg9[%dma_wait3A_840] : memref<512xi32, #tpu.memory_space<vmem>> -> memref<128xi32, #tpu.memory_space<vmem>>
    %dma_wait3A_842 = arith.constant 0 : i32
    %dma_wait3A_843 = arith.constant 0 : i32
    %dma_wait3A_844 = tpu.memref_slice %arg3[%dma_wait3A_842, %dma_wait3A_843] : memref<500x128xf32, #tpu.memory_space<hbm>> -> memref<500x128xf32, #tpu.memory_space<hbm>>
    tpu.wait_indirect_dma semaphore(%arg11 : memref<!tpu.dma_semaphore, #tpu.memory_space<semaphore_mem>>) src(%dma_wait3A_844 : memref<500x128xf32, #tpu.memory_space<hbm>>) dst(%dma_wait3A_839 : memref<128x128xf32, #tpu.memory_space<vmem>>)
    %dma_wait3A_845 = arith.constant 256 : i32
    %dma_wait3A_846 = arith.constant 0 : i32
    %dma_wait3A_847 = tpu.memref_slice %arg10[%dma_wait3A_845, %dma_wait3A_846] : memref<512x128xf32, #tpu.memory_space<vmem>> -> memref<128x128xf32, #tpu.memory_space<vmem>>
    %dma_wait3A_848 = arith.constant 256 : i32
    %dma_wait3A_849 = tpu.memref_slice %arg9[%dma_wait3A_848] : memref<512xi32, #tpu.memory_space<vmem>> -> memref<128xi32, #tpu.memory_space<vmem>>
    %dma_wait3A_850 = arith.constant 0 : i32
    %dma_wait3A_851 = arith.constant 0 : i32
    %dma_wait3A_852 = tpu.memref_slice %arg3[%dma_wait3A_850, %dma_wait3A_851] : memref<500x128xf32, #tpu.memory_space<hbm>> -> memref<500x128xf32, #tpu.memory_space<hbm>>
    tpu.wait_indirect_dma semaphore(%arg11 : memref<!tpu.dma_semaphore, #tpu.memory_space<semaphore_mem>>) src(%dma_wait3A_852 : memref<500x128xf32, #tpu.memory_space<hbm>>) dst(%dma_wait3A_847 : memref<128x128xf32, #tpu.memory_space<vmem>>)
    %dma_wait3A_853 = arith.constant 384 : i32
    %dma_wait3A_854 = arith.constant 0 : i32
    %dma_wait3A_855 = tpu.memref_slice %arg10[%dma_wait3A_853, %dma_wait3A_854] : memref<512x128xf32, #tpu.memory_space<vmem>> -> memref<128x128xf32, #tpu.memory_space<vmem>>
    %dma_wait3A_856 = arith.constant 384 : i32
    %dma_wait3A_857 = tpu.memref_slice %arg9[%dma_wait3A_856] : memref<512xi32, #tpu.memory_space<vmem>> -> memref<128xi32, #tpu.memory_space<vmem>>
    %dma_wait3A_858 = arith.constant 0 : i32
    %dma_wait3A_859 = arith.constant 0 : i32
    %dma_wait3A_860 = tpu.memref_slice %arg3[%dma_wait3A_858, %dma_wait3A_859] : memref<500x128xf32, #tpu.memory_space<hbm>> -> memref<500x128xf32, #tpu.memory_space<hbm>>
    tpu.wait_indirect_dma semaphore(%arg11 : memref<!tpu.dma_semaphore, #tpu.memory_space<semaphore_mem>>) src(%dma_wait3A_860 : memref<500x128xf32, #tpu.memory_space<hbm>>) dst(%dma_wait3A_855 : memref<128x128xf32, #tpu.memory_space<vmem>>)
    "tpu.region"() ({
      %run_scoped3A = tpu.sem_alloc : memref<!tpu.dma_semaphore, #tpu.memory_space<semaphore_mem>>
      %dma_start3A_861 = arith.constant 0 : i32
      %dma_start3A_862 = tpu.memref_slice %arg7[%mul3A_2, %dma_start3A_861] : memref<16384x128xf32, #tpu.memory_space<hbm>> -> memref<512x128xf32, #tpu.memory_space<hbm>>
      %dma_start3A_863 = arith.constant 0 : i32
      %dma_start3A_864 = tpu.memref_slice %arg7[%mul3A_2, %dma_start3A_863] : memref<16384x128xf32, #tpu.memory_space<hbm>> -> memref<512x128xf32, #tpu.memory_space<hbm>>
      tpu.enqueue_dma source(%arg10 : memref<512x128xf32, #tpu.memory_space<vmem>>) target(%dma_start3A_864 : memref<512x128xf32, #tpu.memory_space<hbm>>) target_semaphore(%run_scoped3A : memref<!tpu.dma_semaphore, #tpu.memory_space<semaphore_mem>>)
      %dma_wait3A_865 = arith.constant 0 : i32
      %dma_wait3A_866 = tpu.memref_slice %arg7[%mul3A_2, %dma_wait3A_865] : memref<16384x128xf32, #tpu.memory_space<hbm>> -> memref<512x128xf32, #tpu.memory_space<hbm>>
      %dma_wait3A_867 = arith.constant 0 : i32
      %dma_wait3A_868 = tpu.memref_slice %arg7[%mul3A_2, %dma_wait3A_867] : memref<16384x128xf32, #tpu.memory_space<hbm>> -> memref<512x128xf32, #tpu.memory_space<hbm>>
      tpu.wait_dma2 semaphore(%run_scoped3A : memref<!tpu.dma_semaphore, #tpu.memory_space<semaphore_mem>>) src(%arg10 : memref<512x128xf32, #tpu.memory_space<vmem>>) dst(%dma_wait3A_868 : memref<512x128xf32, #tpu.memory_space<hbm>>)
      tpu.yield
    }) : () -> ()
    return
  }
}

module attributes {stable_mosaic.version = 14 : i64} {
  func.func @_tc_score_body(%arg0: i32, %arg1: memref<2048x128xf32, #tpu.memory_space<vmem>>, %arg2: memref<2048x128xf32, #tpu.memory_space<vmem>>, %arg3: memref<2048x1xi32, #tpu.memory_space<vmem>>, %arg4: memref<2048x1xi32, #tpu.memory_space<vmem>>, %arg5: memref<2048x1xf32, #tpu.memory_space<vmem>>, %arg6: memref<1x1xf32, #tpu.memory_space<vmem>>) attributes {dimension_semantics = [#tpu.dimension_semantics<arbitrary>], iteration_bounds = array<i64: 8>, scalar_prefetch = 0 : i64, scratch_operands = 0 : i64, tpu.core_type = #tpu.core_type<tc>, window_params = [{transform_indices = @transform_0, window_bounds = array<i64: 2048, 128>}, {transform_indices = @transform_1, window_bounds = array<i64: 2048, 128>}, {transform_indices = @transform_2, window_bounds = array<i64: 2048, 1>}, {transform_indices = @transform_3, window_bounds = array<i64: 2048, 1>}, {transform_indices = @transform_4, window_bounds = array<i64: 2048, 1>}, {pipeline_mode = #tpu.pipeline_mode<synchronous>, transform_indices = @transform_5, window_bounds = array<i64: 1, 1>}]} {
    %eq3A = arith.constant 0 : i32
    %eq3A_0 = arith.cmpi eq, %arg0, %eq3A : i32
    %convert_element_type3A = arith.extui %eq3A_0 : i1 to i32
    %cond3A = arith.constant 0 : i32
    %cond3A_1 = arith.cmpi ne, %convert_element_type3A, %cond3A : i32
    scf.if %cond3A_1 {
      %broadcast_in_dim3A_75 = arith.constant 0.000000e+00 : f32
      %broadcast_in_dim3A_76 = vector.broadcast %broadcast_in_dim3A_75 : f32 to vector<1x1xf32>
      %swap3A_77 = arith.constant 0 : index
      %swap3A_78 = arith.constant 0 : index
      %swap3A_79 = vector.load %arg6[%swap3A_77, %swap3A_78] : memref<1x1xf32, #tpu.memory_space<vmem>>, vector<1x1xf32>
      tpu.vector_store %arg6[%swap3A_77, %swap3A_78], %broadcast_in_dim3A_76 {strides = array<i32>} : memref<1x1xf32, #tpu.memory_space<vmem>>, vector<1x1xf32>,
    } else {
    }
    %get3A = arith.constant 0 : index
    %get3A_2 = arith.constant 0 : index
    %get3A_3 = vector.load %arg1[%get3A, %get3A_2] : memref<2048x128xf32, #tpu.memory_space<vmem>>, vector<2048x128xf32>
    %get3A_4 = arith.constant 0 : index
    %get3A_5 = arith.constant 0 : index
    %get3A_6 = vector.load %arg2[%get3A_4, %get3A_5] : memref<2048x128xf32, #tpu.memory_space<vmem>>, vector<2048x128xf32>
    %get3A_7 = arith.constant 0 : index
    %get3A_8 = arith.constant 0 : index
    %get3A_9 = vector.load %arg3[%get3A_7, %get3A_8] : memref<2048x1xi32, #tpu.memory_space<vmem>>, vector<2048x1xi32>
    %sub3A = arith.constant 1000000 : i32
    %sub3A_10 = vector.broadcast %sub3A : i32 to vector<2048x1xi32>
    %sub3A_11 = arith.subi %get3A_9, %sub3A_10 : vector<2048x1xi32>
    %and3A = arith.constant 1 : i32
    %and3A_12 = vector.broadcast %and3A : i32 to vector<2048x1xi32>
    %and3A_13 = arith.andi %sub3A_11, %and3A_12 : vector<2048x1xi32>
    %get3A_14 = arith.constant 0 : index
    %get3A_15 = arith.constant 0 : index
    %get3A_16 = vector.load %arg4[%get3A_14, %get3A_15] : memref<2048x1xi32, #tpu.memory_space<vmem>>, vector<2048x1xi32>
    %and3A_17 = arith.constant 1 : i32
    %and3A_18 = vector.broadcast %and3A_17 : i32 to vector<2048x1xi32>
    %and3A_19 = arith.andi %get3A_16, %and3A_18 : vector<2048x1xi32>
    %eq3A_20 = arith.constant 1 : i32
    %eq3A_21 = vector.broadcast %eq3A_20 : i32 to vector<2048x1xi32>
    %eq3A_22 = arith.cmpi eq, %and3A_13, %eq3A_21 : vector<2048x1xi32>
    %slice3A = vector.extract_strided_slice %get3A_3 {offsets = [0, 64], sizes = [2048, 64], strides = [1, 1]} : vector<2048x128xf32> to vector<2048x64xf32>
    %slice3A_23 = vector.extract_strided_slice %get3A_3 {offsets = [0, 0], sizes = [2048, 64], strides = [1, 1]} : vector<2048x128xf32> to vector<2048x64xf32>
    %broadcast_in_dim3A = vector.shape_cast %eq3A_22 : vector<2048x1xi1> to vector<2048x1xi1>
    %broadcast_in_dim3A_24 = vector.broadcast %broadcast_in_dim3A : vector<2048x1xi1> to vector<2048x64xi1>
    %select_n3A = arith.select %broadcast_in_dim3A_24, %slice3A, %slice3A_23 : vector<2048x64xi1>, vector<2048x64xf32>
    %eq3A_25 = arith.constant 1 : i32
    %eq3A_26 = vector.broadcast %eq3A_25 : i32 to vector<2048x1xi32>
    %eq3A_27 = arith.cmpi eq, %and3A_19, %eq3A_26 : vector<2048x1xi32>
    %slice3A_28 = vector.extract_strided_slice %get3A_6 {offsets = [0, 64], sizes = [2048, 64], strides = [1, 1]} : vector<2048x128xf32> to vector<2048x64xf32>
    %slice3A_29 = vector.extract_strided_slice %get3A_6 {offsets = [0, 0], sizes = [2048, 64], strides = [1, 1]} : vector<2048x128xf32> to vector<2048x64xf32>
    %broadcast_in_dim3A_30 = vector.shape_cast %eq3A_27 : vector<2048x1xi1> to vector<2048x1xi1>
    %broadcast_in_dim3A_31 = vector.broadcast %broadcast_in_dim3A_30 : vector<2048x1xi1> to vector<2048x64xi1>
    %select_n3A_32 = arith.select %broadcast_in_dim3A_31, %slice3A_28, %slice3A_29 : vector<2048x64xi1>, vector<2048x64xf32>
    %mul3A = arith.mulf %select_n3A, %select_n3A : vector<2048x64xf32>
    %reduce_sum3A = arith.constant dense<0.000000e+00> : vector<2048xf32>
    %reduce_sum3A_33 = vector.multi_reduction <add>, %mul3A, %reduce_sum3A [1] : vector<2048x64xf32> to vector<2048xf32>
    %broadcast_in_dim3A_34 = vector.shape_cast %reduce_sum3A_33 : vector<2048xf32> to vector<2048x1xf32>
    %mul3A_35 = arith.mulf %select_n3A_32, %select_n3A_32 : vector<2048x64xf32>
    %reduce_sum3A_36 = arith.constant dense<0.000000e+00> : vector<2048xf32>
    %reduce_sum3A_37 = vector.multi_reduction <add>, %mul3A_35, %reduce_sum3A_36 [1] : vector<2048x64xf32> to vector<2048xf32>
    %broadcast_in_dim3A_38 = vector.shape_cast %reduce_sum3A_37 : vector<2048xf32> to vector<2048x1xf32>
    %mul3A_39 = arith.mulf %select_n3A, %select_n3A_32 : vector<2048x64xf32>
    %reduce_sum3A_40 = arith.constant dense<0.000000e+00> : vector<2048xf32>
    %reduce_sum3A_41 = vector.multi_reduction <add>, %mul3A_39, %reduce_sum3A_40 [1] : vector<2048x64xf32> to vector<2048xf32>
    %broadcast_in_dim3A_42 = vector.shape_cast %reduce_sum3A_41 : vector<2048xf32> to vector<2048x1xf32>
    %sqrt3A = math.sqrt %broadcast_in_dim3A_34 : vector<2048x1xf32>
    %max3A = arith.constant 9.99999996E-13 : f32
    %max3A_43 = vector.broadcast %max3A : f32 to vector<2048x1xf32>
    %max3A_44 = arith.maximumf %sqrt3A, %max3A_43 : vector<2048x1xf32>
    %sqrt3A_45 = math.sqrt %broadcast_in_dim3A_38 : vector<2048x1xf32>
    %max3A_46 = arith.constant 9.99999996E-13 : f32
    %max3A_47 = vector.broadcast %max3A_46 : f32 to vector<2048x1xf32>
    %max3A_48 = arith.maximumf %sqrt3A_45, %max3A_47 : vector<2048x1xf32>
    %mul3A_49 = arith.mulf %max3A_44, %max3A_48 : vector<2048x1xf32>
    %div3A = arith.divf %broadcast_in_dim3A_42, %mul3A_49 : vector<2048x1xf32>
    %neg3A = arith.constant 0.000000e+00 : f32
    %neg3A_50 = vector.broadcast %neg3A : f32 to vector<2048x1xf32>
    %neg3A_51 = arith.subf %neg3A_50, %div3A : vector<2048x1xf32>
    %get3A_52 = arith.constant 0 : index
    %get3A_53 = arith.constant 0 : index
    %get3A_54 = vector.load %arg5[%get3A_52, %get3A_53] : memref<2048x1xf32, #tpu.memory_space<vmem>>, vector<2048x1xf32>
    %mul3A_55 = arith.mulf %neg3A_51, %get3A_54 : vector<2048x1xf32>
    %max3A_56 = arith.constant 0.000000e+00 : f32
    %max3A_57 = vector.broadcast %max3A_56 : f32 to vector<2048x1xf32>
    %max3A_58 = arith.maximumf %mul3A_55, %max3A_57 : vector<2048x1xf32>
    %abs3A = math.absf %mul3A_55 : vector<2048x1xf32>
    %neg3A_59 = arith.constant 0.000000e+00 : f32
    %neg3A_60 = vector.broadcast %neg3A_59 : f32 to vector<2048x1xf32>
    %neg3A_61 = arith.subf %neg3A_60, %abs3A : vector<2048x1xf32>
    %exp3A = math.exp %neg3A_61 : vector<2048x1xf32>
    %log1p3A = math.log1p %exp3A : vector<2048x1xf32>
    %add3A = arith.addf %max3A_58, %log1p3A : vector<2048x1xf32>
    %get3A_62 = arith.constant 0 : index
    %get3A_63 = arith.constant 0 : index
    %get3A_64 = vector.load %arg6[%get3A_62, %get3A_63] : memref<1x1xf32, #tpu.memory_space<vmem>>, vector<1x1xf32>
    %reduce_sum3A_65 = vector.shape_cast %add3A : vector<2048x1xf32> to vector<1x2048x1xf32>
    %reduce_sum3A_66 = arith.constant dense<0.000000e+00> : vector<1xf32>
    %reduce_sum3A_67 = vector.multi_reduction <add>, %reduce_sum3A_65, %reduce_sum3A_66 [1, 2] : vector<1x2048x1xf32> to vector<1xf32>
    %reduce_sum3A_68 = vector.shape_cast %reduce_sum3A_67 : vector<1xf32> to vector<1x1x1xf32>
    %reduce_sum3A_69 = vector.extract %reduce_sum3A_68[0, 0, 0] : f32 from vector<1x1x1xf32>
    %mul3A_70 = arith.constant 6.10351563E-5 : f32
    %mul3A_71 = arith.mulf %reduce_sum3A_69, %mul3A_70 : f32
    %reshape3A = vector.broadcast %mul3A_71 : f32 to vector<1x1xf32>
    %add3A_72 = arith.addf %get3A_64, %reshape3A : vector<1x1xf32>
    %swap3A = arith.constant 0 : index
    %swap3A_73 = arith.constant 0 : index
    %swap3A_74 = vector.load %arg6[%swap3A, %swap3A_73] : memref<1x1xf32, #tpu.memory_space<vmem>>, vector<1x1xf32>
    tpu.vector_store %arg6[%swap3A, %swap3A_73], %add3A_72 {strides = array<i32>} : memref<1x1xf32, #tpu.memory_space<vmem>>, vector<1x1xf32>,
    return
  }
  func.func @transform_0(%arg0: i32) -> (i32, i32) {
    %c0_i32 = arith.constant 0 : i32
    %c0_i32_0 = arith.constant 0 : i32
    return %arg0, %c0_i32 : i32, i32
  }
  func.func @transform_1(%arg0: i32) -> (i32, i32) {
    %c0_i32 = arith.constant 0 : i32
    %c0_i32_0 = arith.constant 0 : i32
    return %arg0, %c0_i32 : i32, i32
  }
  func.func @transform_2(%arg0: i32) -> (i32, i32) {
    %c0_i32 = arith.constant 0 : i32
    %c0_i32_0 = arith.constant 0 : i32
    return %arg0, %c0_i32 : i32, i32
  }
  func.func @transform_3(%arg0: i32) -> (i32, i32) {
    %c0_i32 = arith.constant 0 : i32
    %c0_i32_0 = arith.constant 0 : i32
    return %arg0, %c0_i32 : i32, i32
  }
  func.func @transform_4(%arg0: i32) -> (i32, i32) {
    %c0_i32 = arith.constant 0 : i32
    %c0_i32_0 = arith.constant 0 : i32
    return %arg0, %c0_i32 : i32, i32
  }
  func.func @transform_5(%arg0: i32) -> (i32, i32) {
    %c0_i32 = arith.constant 0 : i32
    %c0_i32_0 = arith.constant 0 : i32
    %c0_i32_1 = arith.constant 0 : i32
    return %c0_i32, %c0_i32_0 : i32, i32
  }
}

</mosaic_0001>

<sc_bundles>
// kernel: kernel.4.cloned.1.call-start
scs
__scs_entry_jumppad:
0x0: {  	(pc) =	sbr.rel $0x88, $3  }
0x1: {  	(tag) =	ssettag $0x0;
	lr =	simm.s32 $0x1  }
0x2: {  	[smem:$0x3F9C] =	sst lr;
	_ =	strace $0xD0000000  }
0x3: {  	_ = 	snop  }
0x4: {  	_ = 	snop  }
0x5: {  	_ = 	snop  }
0x6: {  	_ = 	snop  }
0x7: {  	_ = 	snop  }
__scs_overlays_trampoline_lowered:
0x8: {  	[smem:$0x3FAB] =	sst s0  }
0x9: {  	[smem:$0x3FAC] =	sst s1  }
0xa: {  	[smem:$0x3FAD] =	sst s2  }
0xb: {  	[smem:$0x3FAE] =	sst s3  }
0xc: {  	[smem:$0x3FAF] =	sst s4  }
0xd: {  	[smem:$0x3FB0] =	sst s5  }
0xe: {  	[smem:$0x3FB1] =	sst s6  }
0xf: {  	[smem:$0x3FB2] =	sst s7  }
0x10: {  	[smem:$0x3FB3] =	sst s8  }
0x11: {  	[smem:$0x3FB4] =	sst s9;
	s0 =	simm.s32 @!p0 $0x0  }
0x12: {  	s1 =	sld [smem:$0x3F9A];
	s0 =	simm.s32 @p0 $0x1  }
0x13: {  	[smem:$0x3FB5] =	sst s0;
	s0 =	simm.s32 @!p1 $0x0  }
0x14: {  	s2 =	sld [smem:$0x3F99];
	s0 =	simm.s32 @p1 $0x1  }
0x15: {  	[smem:$0x3FB6] =	sst s0;
	s0 =	simm.s32 @!p2 $0x0  }
0x16: {  	s3 =	sld [smem:$0x3FDB];
	s0 =	simm.s32 @p2 $0x1  }
0x17: {  	s4 =	simm.s32 $0x1BF5;
	[smem:$0x3FB8] =	sst s0  }
0x18: {  	s0 =	sld [smem:$0x3F9B];
	_ =	swait.ge [sflag:s4], $0x0  }
0x19: {  	s7 =	sld [smem:$0x3F9C]  }
0x1a: {  	s8 =	sadd.s32 $0xFFFFE003, lr  }
0x1b: {  	s9 =	sadd.s32 $0xFFFFFEF7, lr;
	s5 =	simm.s32 $0xFFFFFFFF;
	p2 =	slt.u32 s8, $0xFFFFF086  }
0x1c: {  	p1 =	slt.u32 s9, $0xF7A;
	s5 =	simm.s32 @!p2 $0x0  }
0x1d: {  	s5 =	simm.s32 @p1 $0x1;
	p0 =	seq.s32 s7, s2  }
0x1e: {  	s7 =	smul.u32 @!p0 $0xF7A, s2;
	p2 =	seq.s32 @!p0 s5, $0x0  }
0x1f: {  	s9 =	smul.u32 $0xF7A, s1;
	s8 =	simm.s32 @!p0 $0x1BF5;
	p2 =	por !p2, p0  }
0x20: {  	[sflag:s8] =	ssyncset.s32 @!p0 $0xFFFFF086;
	s6 =	sadd.s32 @!p0 s3, s7;
	s7 =	simm.s32 @!p0 $0x108  }
0x21: {  	s3 =	sadd.s32 s3, s9;
	s6 =	sadd.s32 @!p0 $0x88, s6;
	s7 =	simm.s32 @p2 $0x1082  }
0x22: {  	[simem:s7], [sflag:s8] =	dma.local @!p0 [hbm:s6], $0xF7A  }
0x23: {  	s9 =	sor.u32 $0xD0000000, s2;
	s6 =	simm.s32 $0x108;
	_ =	swait.ge @!p0 [sflag:s8], $0x0  }
0x24: {  	s3 =	sadd.s32 $0x88, s3;
	s6 =	simm.s32 @!p1 $0x1082;
	[sflag:s4] =	ssyncset.s32 $0xFFFFF086  }
0x25: {  	[simem:s6], [sflag:s4] =	dma.local [hbm:s3], $0xF7A  }
0x26: {  	[smem:$0x3F9C] =	sst s1;
	(tag) =	ssettag s2;
	_ =	strace s9  }
0x27: {  	s1 =	sld [smem:$0x3FAC]  }
0x28: {  	s2 =	sld [smem:$0x3FAD]  }
0x29: {  	s4 =	sld [smem:$0x3FAF]  }
0x2a: {  	p0 =	seq.s32 s5, $0x0;
	s5 =	sld [smem:$0x3FB0]  }
0x2b: {  	s6 =	sld [smem:$0x3FB1]  }
0x2c: {  	s7 =	sld [smem:$0x3FB2]  }
0x2d: {  	s3 =	simm.s32 $0x108;
	s8 =	sld [smem:$0x3FB3]  }
0x2e: {  	s3 =	simm.s32 @!p0 $0x1082;
	s9 =	sld [smem:$0x3FB4]  }
0x2f: {  	lr =	sadd.s32 s0, s3;
	s0 =	sld [smem:$0x3FAB]  }
0x30: {  	s3 =	sld [smem:$0x3FAE]  }
0x31: {  	[smem:$0x3FB7] =	sst s10  }
0x32: {  	s10 =	sld [smem:$0x3FB5];
	_ =	sdelay $0x3  }
0x33: {  	p0 =	seq.s32 s10, $0x1;
	s10 =	sld [smem:$0x3FB7];
	_ =	sdelay $0x3  }
0x34: {  	[smem:$0x3FB7] =	sst s10  }
0x35: {  	s10 =	sld [smem:$0x3FB6];
	_ =	sdelay $0x3  }
0x36: {  	p1 =	seq.s32 s10, $0x1;
	s10 =	sld [smem:$0x3FB7];
	_ =	sdelay $0x3  }
0x37: {  	[smem:$0x3FB7] =	sst s10  }
0x38: {  	s10 =	sld [smem:$0x3FB8]  }
0x39: {  	_ = 	snop;
	(pc) =	sbr.ind lr, $3  }
0x3a: {  	_ = 	snop  }
0x3b: {  	_ = 	snop  }
0x3c: {  	p2 =	seq.s32 s10, $0x1;
	s10 =	sld [smem:$0x3FB7]  }
0x3d: {  	_ =	shalt  }
0x3e: {  	_ =	shalt  }
0x3f: {  	_ =	shalt  }
0x40: {  	_ =	shalt  }
0x41: {  	_ =	shalt  }
0x42: {  	_ =	shalt  }
0x43: {  	_ =	shalt  }
0x44: {  	_ =	shalt  }
0x45: {  	_ =	shalt  }
0x46: {  	_ =	shalt  }
0x47: {  	_ =	shalt  }
0x48: {  	_ =	shalt  }
0x49: {  	_ =	shalt  }
0x4a: {  	_ =	shalt  }
0x4b: {  	_ =	shalt  }
0x4c: {  	_ =	shalt  }
0x4d: {  	_ =	shalt  }
0x4e: {  	_ =	shalt  }
0x4f: {  	_ =	shalt  }
0x50: {  	_ =	shalt  }
0x51: {  	_ =	shalt  }
0x52: {  	_ =	shalt  }
0x53: {  	_ =	shalt  }
0x54: {  	_ =	shalt  }
0x55: {  	_ =	shalt  }
0x56: {  	_ =	shalt  }
0x57: {  	_ =	shalt  }
0x58: {  	_ =	shalt  }
0x59: {  	_ =	shalt  }
0x5a: {  	_ =	shalt  }
0x5b: {  	_ =	shalt  }
0x5c: {  	_ =	shalt  }
0x5d: {  	_ =	shalt  }
0x5e: {  	_ =	shalt  }
0x5f: {  	_ =	shalt  }
0x60: {  	_ =	shalt  }
0x61: {  	_ =	shalt  }
0x62: {  	_ =	shalt  }
0x63: {  	_ =	shalt  }
0x64: {  	_ =	shalt  }
0x65: {  	_ =	shalt  }
0x66: {  	_ =	shalt  }
0x67: {  	_ =	shalt  }
0x68: {  	_ =	shalt  }
0x69: {  	_ =	shalt  }
0x6a: {  	_ =	shalt  }
0x6b: {  	_ =	shalt  }
0x6c: {  	_ =	shalt  }
0x6d: {  	_ =	shalt  }
0x6e: {  	_ =	shalt  }
0x6f: {  	_ =	shalt  }
0x70: {  	_ =	shalt  }
0x71: {  	_ =	shalt  }
0x72: {  	_ =	shalt  }
0x73: {  	_ =	shalt  }
0x74: {  	_ =	shalt  }
0x75: {  	_ =	shalt  }
0x76: {  	_ =	shalt  }
0x77: {  	_ =	shalt  }
0x78: {  	_ =	shalt  }
0x79: {  	_ =	shalt  }
0x7a: {  	_ =	shalt  }
0x7b: {  	_ =	shalt  }
0x7c: {  	_ =	shalt  }
0x7d: {  	_ =	shalt  }
0x7e: {  	_ =	shalt  }
0x7f: {  	_ =	shalt  }
0x80: {  	_ =	shalt  }
0x81: {  	_ =	shalt  }
0x82: {  	_ =	shalt  }
0x83: {  	_ =	shalt  }
0x84: {  	_ =	shalt  }
0x85: {  	_ =	shalt  }
0x86: {  	_ =	shalt  }
0x87: {  	_ =	shalt  }
.Lfunc_end0:
.L_simem_size_0:
called_computation_lowered:
.L_overlay_start_0:
0x88: {  	s2 =	sld [smem:$0x3FD9]  }
0x89: {  	s3 =	sld [smem:$0x3FFE];
	_ =	sdelay $0x1  }
0x8a: {  	s1 =	srdreg.scid  }
0x8b: {  	s0 =	sand.u32 $0x1, s1  }
0x8c: {  	s17 =	sshll.u32 s0, $0xA;
	s2 =	sadd.s32 s3, s2  }
0x8d: {  	s2 =	sadd.s32 s2, s17  }
0x8e: {  	[smem:$0x3FC3] =	sst s2  }
0x8f: {  	_ = 	snop  }
0x90: {  	s2 =	sld [smem:$0x3FC7]  }
0x91: {  	s18 =	sld [smem:$0x3FC6];
	(tm) =	ssettm $0x1  }
0x92: {  	s4 =	sld [smem:$0x3FFB];
	_ =	sdelay $0x3  }
0x93: {  	_ =	strace s4  }
0x94: {  	s4 =	sld [smem:$0x3FFC];
	_ =	sdelay $0x3  }
0x95: {  	_ =	strace s4  }
0x96: {  	s4 =	sld [smem:$0x3FFD];
	_ =	sdelay $0x3  }
0x97: {  	_ =	strace s4  }
0x98: {  	_ =	strace $0x8FFFFFFF  }
0x99: {  	s19 =	sld [smem:$0x3FDB];
	_ =	sdelay $0x1  }
0x9a: {  	s5 =	simm.s32 $_scs_section_size  }
0x9b: {  	s6 =	simm.s32 $_size__tile_overlayer_lowered;
	s7 =	simm.s32 $_tile_overlayer_lowered  }
0x9c: {  	s22 =	simm.s32 $0x1BFF;
	s21 =	sshll.u32 s7, $0x1;
	s4 =	sadd.s32 s5, s19  }
0x9d: {  	s8 =	simm.s32 $0x0;
	s20 =	sshll.u32 s6, $0x1;
	s6 =	sadd.s32 s21, s4  }
0x9e: {  	[timem:s8], [sflag:s22] =	dma.local [hbm:s6], s20  }
0x9f: {  	_ =	swait.ge [sflag:s22], s20  }
0xa0: {  	s5 =	ssub.s32 $0x0, s20;
	[sflag:s22] =	ssyncset.done $0x0  }
0xa1: {  	[sflag:s22] =	ssyncadd.s32 s5;
	_ =	sdelay $0x1  }
0xa2: {  	s23 =	simm.s32 $0x1B8B  }
0xa3: {  	_ =	swait.ge [sflag:s23], $0x1  }
0xa4: {  	[sflag:s23] =	ssyncset.done $0x0  }
0xa5: {  	s25 =	simm.s32 $0x1B8E;
	s24 =	sld [smem:$0x3FFE];
	[sflag:s23] =	ssyncadd.s32 $0xFFFFFFFF  }
0xa6: {  	s26 =	simm.s32 $execute0_lowered;
	[smem:$0x3FD2] =	sst s25  }
0xa7: {  	s6 =	sshll.u32 s26, $0x1;
	_ =	strace $0x80000046;
	[dreg:$0x1] =	wrdreg $0xFFFFFFFF  }
0xa8: {  	s28 =	simm.s32 $_size_execute0_lowered;
	s4 =	sadd.s32 s4, s6;
	[dreg:$0x0] =	wrdreg $0x0  }
0xa9: {  	s6 =	sshll.u32 s28, $0x1;
	[dreg:$0x2] =	wrdreg s4  }
0xaa: {  	[dreg:$0x3] =	wrdreg s6  }
0xab: {  	[dreg:$0x4] =	wrdreg $0xC0  }
0xac: {  	_ =	task [dreg:s8], $0x5FFFF  }
0xad: {  	[dreg:$0x1] =	wrdreg $0xFFFFFFFF  }
0xae: {  	[dreg:$0x0] =	wrdreg $0x60  }
0xaf: {  	[dreg:$0x2] =	wrdreg s24  }
0xb0: {  	[dreg:$0x3] =	wrdreg s2  }
0xb1: {  	[dreg:$0x4] =	wrdreg s18  }
0xb2: {  	[dreg:$0x5] =	wrdreg $0x9  }
0xb3: {  	_ =	task.clear_ibuf [dreg:s8], $0x6FFFF;
	_ =	strace $0x90000046  }
0xb4: {  	s29 =	simm.s32 $0x9;
	_ =	strace $0x80000048  }
0xb5: {  	_ =	swait.ge [sflag:s29], $0x1  }
0xb6: {  	[sflag:s29] =	ssyncadd.s32 $0xFFFFFFFF  }
0xb7: {  	_ =	strace $0x90000048  }
0xb8: {  	_ =	sfence  }
0xb9: {  	s30 =	sld [smem:$0x0];
	_ =	sdelay $0x2  }
0xba: {  	s31 =	sshll.u32 s1, $0xD;
	s1 =	sshrl.u32 s1, $0x2  }
0xbb: {  	s3 =	sand.u32 $0x4000, s31;
	s1 =	sadd.s32 s1, s30  }
0xbc: {  	s0 =	sor.u32 s3, s0;
	s1 =	sshll.u32 s1, $0x11  }
0xbd: {  	s0 =	sor.u32 s1, s0  }
0xbe: {  	s0 =	sadd.s32 $0x8F2B, s0  }
0xbf: {  	[sflag:s0] =	ssyncadd.remote.s32 $0x1  }
0xc0: {  	_ =	sfence.sel $0xFFFF  }
0xc1: {  	[dreg:$0x0] =	wrdreg $0xFFFFFFFF;
	(pc) =	sbr.abs _section_cstart, $3  }
0xc2: {  	[dreg:$0x1] =	wrdreg $0xFFFFFFFF  }
0xc3: {  	_ =	task.clear_ibuf [dreg:s8], $0x2FFFF;
	_ =	strace $0x9FFFFFFF  }
0xc4: {  	(tm) =	ssettm $0x7FFFFFFF  }
0xc5: {  	_ =	shalt  }
tec
execute0_lowered:
.L_overlay_start_1:
0x0: {  	(tag) =	ssettag $0x1  }
0x1: {  	s5 =	rddreg [dreg:$0x0]  }
0x2: {  	s6 =	rddreg [dreg:$0x1]  }
0x3: {  	s7 =	rddreg [dreg:$0x2]  }
0x4: {  	s0 =	rddreg [dreg:$0x3];
	s2 =	simm.s32 $0x0;
	s3 =	srdreg.scid  }
0x5: {  	s1 =	stileid.u32;
	s12 =	simm.s32 $0x80;
	s13 =	simm.s32 $0x400  }
0x6: {  	s14 =	simm.s32 $0x4400;
	s15 =	simm.s32 $0x100;
	s16 =	simm.s32 $0x8400  }
0x7: {  	s17 =	simm.s32 $0x180;
	s18 =	simm.s32 $0xC400;
	s19 =	simm.s32 $0x1  }
0x8: {  	s20 =	simm.s32 $0x280;
	s21 =	simm.s32 $0x300;
	s22 =	simm.s32 $0x380  }
0x9: {  	[smem:$0x7FF] =	sst s2;
	s4 =	sand.u32 $0x1, s3;
	s8 =	sshll.u32 s1, $0xA  }
0xa: {  	s3 =	sadd.s32 $0xF43800, s5;
	s9 =	sshll.u32 s4, $0x9;
	s31 =	ssub.s32 $0x2, s4  }
0xb: {  	_ =	strace $0x80000047;
	s8 =	sor.u32 s9, s8;
	s11 =	sshrl.u32 s31, $0x1  }
0xc: {  	s4 =	sadd.s32 $0x1400, s5;
	s10 =	sshll.u32 s8, $0x4;
	s9 =	ssub.s32 s31, s11  }
0xd: {  	s8 =	sshrl.u32 s8, $0x3;
	s11 =	simm.s32 $0x200;
	s10 =	sadd.s32 s10, s5  }
0xe: {  	s5 =	sadd.s32 s6, s8;
	s6 =	sadd.s32 s7, s8;
	s9 =	smax.u32 s9, $0x1  }
0xf: {  	s7 =	sadd.s32 $0x3400, s10;
	s8 =	sadd.s32 $0x43400, s10;
	s10 =	simm.s32 $0x2  }
.LBB2_1:
0x10: {  	[tilespmem:s2], [sflag:$0x2] =	stream.linear.gather [hbm4b:s5+s2], $0x200, $0x38;
	[tilespmem:$0x10400] =	vst v63  }
0x11: {  	_ =	swait.ge [sflag:s10], $0x200  }
0x12: {  	[sflag:s10] =	ssyncset.done $0x0  }
0x13: {  	[sflag:s10] =	ssyncadd.s32 $0xFFFFFE00  }
0x14: {  	[tilespmem:s11], [sflag:$0x2] =	stream.linear.gather [hbm4b:s6+s2], $0x200, $0x38;
	[tilespmem:$0x10400] =	vst v63  }
0x15: {  	_ =	swait.ge [sflag:s10], $0x200  }
0x16: {  	[sflag:s10] =	ssyncset.done $0x0  }
0x17: {  	[sflag:s10] =	ssyncadd.s32 $0xFFFFFE00  }
0x18: {  	v0 =	vld [tilespmem:$0x0]  }
0x19: {  	v1 =	vld [tilespmem:$0x200]  }
0x1a: {  	v3 =	vld [tilespmem:$0x210]  }
0x1b: {  	v5 =	vld [tilespmem:$0x220]  }
0x1c: {  	v53 =	vld [tilespmem:$0x230]  }
0x1d: {  	v58 =	vld [tilespmem:$0x240]  }
0x1e: {  	v63 =	vld [tilespmem:$0x250];
	v51 =	vshra.s32 v1, $0x1  }
0x1f: {  	v11 =	vld [tilespmem:$0x260];
	v56 =	vshra.s32 v3, $0x1;
	[tilespmem:$0x200] =	vst v51  }
0x20: {  	v15 =	vld [tilespmem:$0x270];
	v61 =	vshra.s32 v5, $0x1;
	[tilespmem:$0x210] =	vst v56  }
0x21: {  	v19 =	vld [tilespmem:$0x280];
	v10 =	vshra.s32 v53, $0x1;
	[tilespmem:$0x220] =	vst v61  }
0x22: {  	v23 =	vld [tilespmem:$0x290];
	v14 =	vshra.s32 v58, $0x1;
	[tilespmem:$0x230] =	vst v10  }
0x23: {  	v27 =	vld [tilespmem:$0x2A0];
	v18 =	vshra.s32 v63, $0x1;
	[tilespmem:$0x240] =	vst v14  }
0x24: {  	v31 =	vld [tilespmem:$0x2B0];
	v22 =	vshra.s32 v11, $0x1;
	[tilespmem:$0x250] =	vst v18  }
0x25: {  	v35 =	vld [tilespmem:$0x2C0];
	v26 =	vshra.s32 v15, $0x1;
	[tilespmem:$0x260] =	vst v22  }
0x26: {  	v39 =	vld [tilespmem:$0x2D0];
	v30 =	vshra.s32 v19, $0x1;
	[tilespmem:$0x270] =	vst v26  }
0x27: {  	v47 =	vld [tilespmem:$0x2F0];
	v34 =	vshra.s32 v23, $0x1;
	[tilespmem:$0x280] =	vst v30  }
0x28: {  	v2 =	vld [tilespmem:$0x10];
	v38 =	vshra.s32 v27, $0x1;
	[tilespmem:$0x290] =	vst v34  }
0x29: {  	v4 =	vld [tilespmem:$0x20];
	v42 =	vshra.s32 v31, $0x1;
	[tilespmem:$0x2A0] =	vst v38  }
0x2a: {  	v6 =	vld [tilespmem:$0x30];
	v46 =	vshra.s32 v35, $0x1;
	[tilespmem:$0x2B0] =	vst v42  }
0x2b: {  	v55 =	vld [tilespmem:$0x40];
	v50 =	vshra.s32 v39, $0x1;
	[tilespmem:$0x2C0] =	vst v46  }
0x2c: {  	v60 =	vld [tilespmem:$0x50];
	v0 =	vadd.s32 $0xFFF0BDC0, v0;
	v58 =	vshra.s32 v47, $0x1;
	[tilespmem:$0x2D0] =	vst v50  }
0x2d: {  	v9 =	vld [tilespmem:$0x60];
	v52 =	vadd.s32 $0xFFF0BDC0, v2;
	v0 =	vshra.s32 v0, $0x1;
	[tilespmem:$0x2F0] =	vst v58  }
0x2e: {  	v13 =	vld [tilespmem:$0x70];
	v57 =	vadd.s32 $0xFFF0BDC0, v4;
	v54 =	vshra.s32 v52, $0x1;
	[tilespmem:$0x0] =	vst v0  }
0x2f: {  	v17 =	vld [tilespmem:$0x80];
	v62 =	vadd.s32 $0xFFF0BDC0, v6;
	v59 =	vshra.s32 v57, $0x1;
	[tilespmem:$0x10] =	vst v54  }
0x30: {  	v21 =	vld [tilespmem:$0x90];
	v1 =	vadd.s32 $0xFFF0BDC0, v55;
	v8 =	vshra.s32 v62, $0x1;
	[tilespmem:$0x20] =	vst v59  }
0x31: {  	v25 =	vld [tilespmem:$0xA0];
	v3 =	vadd.s32 $0xFFF0BDC0, v60;
	v12 =	vshra.s32 v1, $0x1;
	[tilespmem:$0x30] =	vst v8  }
0x32: {  	v43 =	vld [tilespmem:$0x2E0];
	v5 =	vadd.s32 $0xFFF0BDC0, v9;
	v16 =	vshra.s32 v3, $0x1;
	[tilespmem:$0x40] =	vst v12  }
0x33: {  	v29 =	vld [tilespmem:$0xB0];
	v20 =	vshra.s32 v5, $0x1;
	v1 =	vadd.s32 $0xFFF0BDC0, v13;
	[tilespmem:$0x50] =	vst v16  }
0x34: {  	v33 =	vld [tilespmem:$0xC0];
	v3 =	vadd.s32 $0xFFF0BDC0, v17;
	[tilespmem:$0x60] =	vst v20;
	v24 =	vshra.s32 v1, $0x1  }
0x35: {  	v37 =	vld [tilespmem:$0xD0];
	v5 =	vadd.s32 $0xFFF0BDC0, v21;
	v28 =	vshra.s32 v3, $0x1;
	[tilespmem:$0x70] =	vst v24  }
0x36: {  	v41 =	vld [tilespmem:$0xE0];
	v32 =	vshra.s32 v5, $0x1;
	[tilespmem:$0x80] =	vst v28  }
0x37: {  	v45 =	vld [tilespmem:$0xF0];
	v1 =	vadd.s32 $0xFFF0BDC0, v25;
	v54 =	vshra.s32 v43, $0x1;
	[tilespmem:$0x90] =	vst v32  }
0x38: {  	v49 =	vld [tilespmem:$0x100];
	v3 =	vadd.s32 $0xFFF0BDC0, v29;
	v36 =	vshra.s32 v1, $0x1;
	[tilespmem:$0x2E0] =	vst v54  }
0x39: {  	v53 =	vld [tilespmem:$0x110];
	v5 =	vadd.s32 $0xFFF0BDC0, v33;
	v40 =	vshra.s32 v3, $0x1;
	[tilespmem:$0xA0] =	vst v36  }
0x3a: {  	v55 =	vld [tilespmem:$0x310];
	v44 =	vshra.s32 v5, $0x1;
	v1 =	vadd.s32 $0xFFF0BDC0, v37;
	[tilespmem:$0xB0] =	vst v40  }
0x3b: {  	v63 =	vld [tilespmem:$0x330];
	v3 =	vadd.s32 $0xFFF0BDC0, v41;
	[tilespmem:$0xC0] =	vst v44;
	v48 =	vshra.s32 v1, $0x1  }
0x3c: {  	v51 =	vld [tilespmem:$0x300];
	v5 =	vadd.s32 $0xFFF0BDC0, v45;
	v52 =	vshra.s32 v3, $0x1;
	[tilespmem:$0xD0] =	vst v48  }
0x3d: {  	v57 =	vld [tilespmem:$0x120];
	v56 =	vshra.s32 v5, $0x1;
	v1 =	vadd.s32 $0xFFF0BDC0, v49;
	[tilespmem:$0xE0] =	vst v52  }
0x3e: {  	v61 =	vld [tilespmem:$0x130];
	[tilespmem:$0xF0] =	vst v56;
	v60 =	vshra.s32 v1, $0x1  }
0x3f: {  	v59 =	vld [tilespmem:$0x320];
	v11 =	vshra.s32 v55, $0x1;
	[tilespmem:$0x100] =	vst v60  }
0x40: {  	v10 =	vld [tilespmem:$0x140];
	v19 =	vshra.s32 v63, $0x1;
	[tilespmem:$0x310] =	vst v11  }
0x41: {  	v14 =	vld [tilespmem:$0x150];
	v3 =	vadd.s32 $0xFFF0BDC0, v53;
	v62 =	vshra.s32 v51, $0x1;
	[tilespmem:$0x330] =	vst v19  }
0x42: {  	v12 =	vld [tilespmem:$0x340];
	v9 =	vshra.s32 v3, $0x1;
	v5 =	vadd.s32 $0xFFF0BDC0, v57;
	[tilespmem:$0x300] =	vst v62  }
0x43: {  	v16 =	vld [tilespmem:$0x350];
	[tilespmem:$0x110] =	vst v9;
	v13 =	vshra.s32 v5, $0x1  }
0x44: {  	v20 =	vld [tilespmem:$0x360];
	v1 =	vadd.s32 $0xFFF0BDC0, v61;
	v15 =	vshra.s32 v59, $0x1;
	[tilespmem:$0x120] =	vst v13  }
0x45: {  	v18 =	vld [tilespmem:$0x160];
	v3 =	vadd.s32 $0xFFF0BDC0, v10;
	v17 =	vshra.s32 v1, $0x1;
	[tilespmem:$0x320] =	vst v15  }
0x46: {  	v22 =	vld [tilespmem:$0x170];
	v21 =	vshra.s32 v3, $0x1;
	[tilespmem:$0x130] =	vst v17  }
0x47: {  	v50 =	vld [tilespmem:$0x1E0];
	v23 =	vshra.s32 v12, $0x1;
	[tilespmem:$0x140] =	vst v21  }
0x48: {  	v24 =	vld [tilespmem:$0x370];
	v27 =	vshra.s32 v16, $0x1;
	[tilespmem:$0x340] =	vst v23  }
0x49: {  	v28 =	vld [tilespmem:$0x380];
	v5 =	vadd.s32 $0xFFF0BDC0, v14;
	v31 =	vshra.s32 v20, $0x1;
	[tilespmem:$0x350] =	vst v27  }
0x4a: {  	v32 =	vld [tilespmem:$0x390];
	v1 =	vadd.s32 $0xFFF0BDC0, v18;
	v25 =	vshra.s32 v5, $0x1;
	[tilespmem:$0x360] =	vst v31  }
0x4b: {  	v26 =	vld [tilespmem:$0x180];
	v3 =	vadd.s32 $0xFFF0BDC0, v22;
	v29 =	vshra.s32 v1, $0x1;
	[tilespmem:$0x150] =	vst v25  }
0x4c: {  	v30 =	vld [tilespmem:$0x190];
	v33 =	vshra.s32 v3, $0x1;
	[tilespmem:$0x160] =	vst v29  }
0x4d: {  	v34 =	vld [tilespmem:$0x1A0];
	v35 =	vshra.s32 v24, $0x1;
	[tilespmem:$0x170] =	vst v33  }
0x4e: {  	v38 =	vld [tilespmem:$0x1B0];
	v39 =	vshra.s32 v28, $0x1;
	[tilespmem:$0x370] =	vst v35  }
0x4f: {  	v36 =	vld [tilespmem:$0x3A0];
	v59 =	vadd.s32 $0xFFF0BDC0, v50;
	v43 =	vshra.s32 v32, $0x1;
	[tilespmem:$0x380] =	vst v39  }
0x50: {  	v40 =	vld [tilespmem:$0x3B0];
	v5 =	vadd.s32 $0xFFF0BDC0, v26;
	v60 =	vshra.s32 v59, $0x1;
	[tilespmem:$0x390] =	vst v43  }
0x51: {  	v44 =	vld [tilespmem:$0x3C0];
	v1 =	vadd.s32 $0xFFF0BDC0, v30;
	v37 =	vshra.s32 v5, $0x1;
	[tilespmem:$0x1E0] =	vst v60  }
0x52: {  	v42 =	vld [tilespmem:$0x1C0];
	v3 =	vadd.s32 $0xFFF0BDC0, v34;
	v41 =	vshra.s32 v1, $0x1;
	[tilespmem:$0x180] =	vst v37  }
0x53: {  	v46 =	vld [tilespmem:$0x1D0];
	v45 =	vshra.s32 v3, $0x1;
	[tilespmem:$0x190] =	vst v41  }
0x54: {  	v54 =	vld [tilespmem:$0x1F0];
	v47 =	vshra.s32 v36, $0x1;
	[tilespmem:$0x1A0] =	vst v45  }
0x55: {  	v48 =	vld [tilespmem:$0x3D0];
	v51 =	vshra.s32 v40, $0x1;
	[tilespmem:$0x3A0] =	vst v47  }
0x56: {  	v52 =	vld [tilespmem:$0x3E0];
	v5 =	vadd.s32 $0xFFF0BDC0, v38;
	v55 =	vshra.s32 v44, $0x1;
	[tilespmem:$0x3B0] =	vst v51  }
0x57: {  	v1 =	vadd.s32 $0xFFF0BDC0, v42;
	v49 =	vshra.s32 v5, $0x1;
	[tilespmem:$0x3C0] =	vst v55  }
0x58: {  	v57 =	vld [tilespmem:$0x3F0];
	v3 =	vadd.s32 $0xFFF0BDC0, v46;
	v53 =	vshra.s32 v1, $0x1;
	[tilespmem:$0x1B0] =	vst v49  }
0x59: {  	v56 =	vshra.s32 v3, $0x1;
	[tilespmem:$0x1C0] =	vst v53  }
0x5a: {  	v58 =	vshra.s32 v48, $0x1;
	[tilespmem:$0x1D0] =	vst v56  }
0x5b: {  	v61 =	vshra.s32 v52, $0x1;
	v1 =	vadd.s32 $0xFFF0BDC0, v54;
	[tilespmem:$0x3D0] =	vst v58  }
0x5c: {  	[tilespmem:$0x3E0] =	vst v61;
	v62 =	vshra.s32 v1, $0x1  }
0x5d: {  	v63 =	vshra.s32 v57, $0x1;
	[tilespmem:$0x1F0] =	vst v62  }
0x5e: {  	[tilespmem:$0x3F0] =	vst v63  }
0x5f: {  	[tilespmem:s13], [sflag:$0x1] =	stream.indirect.gather [hbm4b:s3+s12], $0x80, s2, s12, $0xb8;
	[tilespmem:$0x10400] =	vst v63  }
0x60: {  	_ = 	snop  }
0x61: {  	[tilespmem:s14], [sflag:$0x1] =	stream.indirect.gather [hbm4b:s3+s12], $0x80, s12, s12, $0xb8;
	[tilespmem:$0x10400] =	vst v63  }
0x62: {  	_ = 	snop  }
0x63: {  	[tilespmem:s16], [sflag:$0x1] =	stream.indirect.gather [hbm4b:s3+s12], $0x80, s15, s12, $0xb8;
	[tilespmem:$0x10400] =	vst v63  }
0x64: {  	_ = 	snop  }
0x65: {  	[tilespmem:s18], [sflag:$0x1] =	stream.indirect.gather [hbm4b:s3+s12], $0x80, s17, s12, $0xb8;
	[tilespmem:$0x10400] =	vst v63  }
0x66: {  	_ =	swait.ge [sflag:s19], $0x4000  }
0x67: {  	[sflag:s19] =	ssyncset.done $0x0  }
0x68: {  	[sflag:s19] =	ssyncadd.s32 $0xFFFFC000  }
0x69: {  	_ =	swait.ge [sflag:s19], $0x4000  }
0x6a: {  	[sflag:s19] =	ssyncset.done $0x0  }
0x6b: {  	[sflag:s19] =	ssyncadd.s32 $0xFFFFC000  }
0x6c: {  	_ =	swait.ge [sflag:s19], $0x4000  }
0x6d: {  	[sflag:s19] =	ssyncset.done $0x0  }
0x6e: {  	[sflag:s19] =	ssyncadd.s32 $0xFFFFC000  }
0x6f: {  	_ =	swait.ge [sflag:s19], $0x4000  }
0x70: {  	[sflag:s19] =	ssyncset.done $0x0  }
0x71: {  	[sflag:s19] =	ssyncadd.s32 $0xFFFFC000  }
0x72: {  	[hbm4b:s7+s2] =	stream.linear.scatter [tilespmem:s13], [sflag:$0x2], $0x10000, $0x38;
	[tilespmem:$0x10400] =	vst v63  }
0x73: {  	_ =	swait.ge [sflag:s10], $0x10000  }
0x74: {  	[sflag:s10] =	ssyncset.done $0x0  }
0x75: {  	[sflag:s10] =	ssyncadd.s32 $0xFFFF0000  }
0x76: {  	[tilespmem:s13], [sflag:$0x1] =	stream.indirect.gather [hbm4b:s4+s12], $0x80, s11, s12, $0xb8;
	[tilespmem:$0x10400] =	vst v63  }
0x77: {  	_ = 	snop  }
0x78: {  	[tilespmem:s14], [sflag:$0x1] =	stream.indirect.gather [hbm4b:s4+s12], $0x80, s20, s12, $0xb8;
	[tilespmem:$0x10400] =	vst v63  }
0x79: {  	_ = 	snop  }
0x7a: {  	[tilespmem:s16], [sflag:$0x1] =	stream.indirect.gather [hbm4b:s4+s12], $0x80, s21, s12, $0xb8;
	[tilespmem:$0x10400] =	vst v63  }
0x7b: {  	_ = 	snop  }
0x7c: {  	[tilespmem:s18], [sflag:$0x1] =	stream.indirect.gather [hbm4b:s4+s12], $0x80, s22, s12, $0xb8;
	[tilespmem:$0x10400] =	vst v63  }
0x7d: {  	_ =	swait.ge [sflag:s19], $0x4000  }
0x7e: {  	[sflag:s19] =	ssyncset.done $0x0  }
0x7f: {  	[sflag:s19] =	ssyncadd.s32 $0xFFFFC000  }
0x80: {  	_ =	swait.ge [sflag:s19], $0x4000  }
0x81: {  	[sflag:s19] =	ssyncset.done $0x0  }
0x82: {  	[sflag:s19] =	ssyncadd.s32 $0xFFFFC000  }
0x83: {  	_ =	swait.ge [sflag:s19], $0x4000  }
0x84: {  	[sflag:s19] =	ssyncset.done $0x0  }
0x85: {  	[sflag:s19] =	ssyncadd.s32 $0xFFFFC000  }
0x86: {  	_ =	swait.ge [sflag:s19], $0x4000  }
0x87: {  	p0 =	sne.s32 s9, $0x1;
	[sflag:s19] =	ssyncset.done $0x0  }
.Ltmp0:
0x88: {  	[sflag:s19] =	ssyncadd.s32 $0xFFFFC000;
	(pc) =	sbr.rel @p0 .LBB2_1-.Ltmp0, $4  }
0x89: {  	[hbm4b:s8+s2] =	stream.linear.scatter [tilespmem:s13], [sflag:$0x2], $0x10000, $0x38;
	[tilespmem:$0x10400] =	vst v63  }
0x8a: {  	_ =	swait.ge [sflag:s10], $0x10000  }
0x8b: {  	[sflag:s10] =	ssyncset.done $0x0  }
0x8c: {  	s9 =	sadd.s32 $0xFFFFFFFF, s9;
	[sflag:s10] =	ssyncadd.s32 $0xFFFF0000  }
0x8d: {  	_ =	sfence.sel $0x180000  }
0x8e: {  	[bflag:$0x0] =	sbarrier.arrive $0xFFFF  }
0x8f: {  	p0 =	sne.s32 s1, $0x0;
	_ =	strace $0x90000047  }
0x90: {  	s0 =	sadd.s32 @!p0 $0x100000, s0;
	[bflag:$0x2] =	sbarrier.arrive $0xFFFF  }
0x91: {  	[sflag:s0] =	ssyncadd.tile.s32 @!p0 $0x1;
	_ =	shalt  }
.Lfunc_end2:
_tile_overlayer_lowered:
.L_overlay_start_2:
0x92: {  	(tag) =	ssettag $0x2  }
0x93: {  	s0 =	rddreg [dreg:$0x0];
	s2 =	stileid.u32  }
0x94: {  	s1 =	rddreg [dreg:$0x1];
	p0 =	sne.s32 s2, $0x0  }
0x95: {  	s3 =	rddreg [dreg:$0x2];
	[bflag:$0x3] =	sbarrier.arrive $0xFFFF;
	s2 =	simm.s32 @!p0 $0x1C02  }
0x96: {  	[timem:s3], [sflag:s2] =	dma.local @!p0 [hbm:s0], s1  }
0x97: {  	s0 =	simm.s32 @!p0 $0x2  }
0x98: {  	_ =	swait.ge @!p0 [sflag:s0], s1  }
0x99: {  	s1 =	ssub.s32 @!p0 $0x0, s1;
	[sflag:s0] =	ssyncset.done @!p0 $0x0  }
0x9a: {  	[sflag:s0] =	ssyncadd.s32 @!p0 s1  }
0x9b: {  	[bflag:$0x3] =	sbarrier.arrive $0xFFFF  }
0x9c: {  	_ =	shalt  }

</sc_bundles>
